<compile_context>
chip_gen: v7x
topology: tpu7x:2x2x1
jax: 0.10.2.dev20260603
libtpu: 0.0.44.dev20260713+nightly
codegen_flags: <defaults>
</compile_context>

<pallas_src>
import jax
import jax.numpy as jnp
from jax.experimental import pallas as pl
from jax.experimental.pallas import tpu as pltpu

IMG = 800.0
PRE = 2000
POST = 1000
THR = 0.7
MINSZ = 1e-3
NPAD = 2048
T = 256
NT = NPAD // T


def _nms_body(logit_ref, rows_ref, cols_ref, score_out, boxes_out, keep_ref):
    bc_clip = jnp.clip(cols_ref[...], 0.0, IMG)
    boxes_out[...] = bc_clip

    br = jnp.clip(rows_ref[...], 0.0, IMG)
    x1r = br[0:1, :]
    y1r = br[1:2, :]
    x2r = br[2:3, :]
    y2r = br[3:4, :]
    area_r = (x2r - x1r) * (y2r - y1r)

    xc1 = bc_clip[:, 0:1]
    yc1 = bc_clip[:, 1:2]
    xc2 = bc_clip[:, 2:3]
    yc2 = bc_clip[:, 3:4]
    wc = xc2 - xc1
    hc = yc2 - yc1
    area_c = wc * hc

    scores = jax.nn.sigmoid(logit_ref[...])
    valid = (wc >= MINSZ) & (hc >= MINSZ) & (scores >= 0.0)

    keep_ref[...] = jnp.ones((NPAD, 1), jnp.float32)
    gi_col = jax.lax.broadcasted_iota(jnp.int32, (NPAD, 1), 0)

    for t in range(NT):
        base = t * T
        x1t = x1r[:, base:base + T]
        y1t = y1r[:, base:base + T]
        x2t = x2r[:, base:base + T]
        y2t = y2r[:, base:base + T]
        at = area_r[:, base:base + T]
        wij = jnp.clip(jnp.minimum(xc2, x2t) - jnp.maximum(xc1, x1t), 0.0, None)
        hij = jnp.clip(jnp.minimum(yc2, y2t) - jnp.maximum(yc1, y1t), 0.0, None)
        inter = wij * hij
        iou = inter / (area_c + at - inter + 1e-9)
        li = jax.lax.broadcasted_iota(jnp.int32, (NPAD, T), 1) + base
        C = jnp.where((iou > THR) & (li < gi_col), 1.0, 0.0)

        B = C[base:base + T, :]
        a0 = keep_ref[base:base + T, :]

        def step(a):
            cnt = jnp.dot(B, a, preferred_element_type=jnp.float32)
            return jnp.where(cnt > 0.5, 0.0, a0)

        def cond(state):
            prev, cur = state
            return jnp.any(prev != cur)

        def body(state):
            _, cur = state
            return cur, step(cur)

        _, a_t = jax.lax.while_loop(cond, body, (a0, step(a0)))
        keep_ref[base:base + T, :] = a_t

        if t < NT - 1:
            cnt = jnp.dot(C, a_t, preferred_element_type=jnp.float32)
            supp = (cnt > 0.5) & (gi_col >= base + T)
            keep_ref[...] = jnp.where(supp, 0.0, keep_ref[...])

    final_mask = (keep_ref[...] > 0.5) & valid
    score_out[...] = jnp.where(final_mask, scores, -1.0)


def kernel(proposals, objectness):
    obj = objectness.reshape(objectness.shape[0], -1)
    scores0 = obj[0]
    boxes0 = proposals[0]
    top_vals, top_idx = jax.lax.top_k(scores0, PRE)
    boxes = jnp.take(boxes0, top_idx, axis=0)
    cols = jnp.pad(boxes, ((0, NPAD - PRE), (0, 0)))
    rows = cols.T
    logits = jnp.pad(top_vals, (0, NPAD - PRE), constant_values=-1e4)[:, None]

    nms_scores, boxes_clip = pl.pallas_call(
        _nms_body,
        out_shape=[jax.ShapeDtypeStruct((NPAD, 1), jnp.float32),
                   jax.ShapeDtypeStruct((NPAD, 4), jnp.float32)],
        scratch_shapes=[pltpu.VMEM((NPAD, 1), jnp.float32)],
    )(logits, rows, cols)

    final_scores, final_idx = jax.lax.top_k(nms_scores[:PRE, 0], POST)
    final_boxes = boxes_clip[:PRE][final_idx]
    return final_boxes, final_scores

# --- scband reference (transcript-rebuilt; emitter-appended) ---
"""Pipeline reference for scband-region-proposal-network-18159121727680 (READ-ONLY COPY).

The authoritative reference and input builder live on the scoring server;
editing this copy changes nothing except your own understanding.
"""

import jax, jax.numpy as jnp
import numpy as np

IMG_H = 800.0
IMG_W = 800.0
PRE_NMS = 2000
POST_NMS = 1000
NMS_THRESH = 0.7
SCORE_THRESH = 0.0
MIN_SIZE = 1e-3
NUM_ANCHORS = 20000


def setup_inputs(seed: int = 0) -> dict:
    key = jax.random.key(seed)
    k1, k2, k3, k4, k5 = jax.random.split(key, 5)
    A = NUM_ANCHORS
    cx = jax.random.uniform(k1, (1, A)) * IMG_W
    cy = jax.random.uniform(k2, (1, A)) * IMG_H
    w = jax.random.uniform(k3, (1, A)) * 240.0 + 16.0
    h = jax.random.uniform(k4, (1, A)) * 240.0 + 16.0
    proposals = jnp.stack([cx - w / 2, cy - h / 2, cx + w / 2, cy + h / 2], axis=-1)
    objectness = jax.random.normal(k5, (1, A), dtype=jnp.float32)
    return {"proposals": proposals, "objectness": objectness}


def _box_iou(a, b):
    area_a = (a[:, 2] - a[:, 0]) * (a[:, 3] - a[:, 1])
    area_b = (b[:, 2] - b[:, 0]) * (b[:, 3] - b[:, 1])
    lt = jnp.maximum(a[:, None, :2], b[None, :, :2])
    rb = jnp.minimum(a[:, None, 2:], b[None, :, 2:])
    wh = jnp.clip(rb - lt, 0.0, None)
    inter = wh[..., 0] * wh[..., 1]
    return inter / (area_a[:, None] + area_b[None, :] - inter + 1e-9)


def _nms_keep_mask(boxes, scores, thresh):
    # greedy NMS over score-sorted boxes; returns keep mask in original order
    boxes = jax.lax.stop_gradient(boxes)
    scores = jax.lax.stop_gradient(scores)
    N = boxes.shape[0]
    order = jnp.argsort(-scores)
    b = boxes[order]
    iou = _box_iou(b, b)
    idxs = jnp.arange(N)
    keep = jnp.ones((N,), dtype=bool)

    def body(i, keep):
        row = iou[i]
        suppress = (row > thresh) & (idxs > i) & keep[i]
        return keep & (~suppress)

    keep = jax.lax.fori_loop(0, N, body, keep)
    keep_orig = jnp.zeros((N,), dtype=bool).at[order].set(keep)
    return keep_orig


def reference(proposals, objectness):
    # filter_proposals path of the RPN (inference mode), single image, single level
    obj = objectness.reshape(objectness.shape[0], -1)
    scores0 = obj[0]
    boxes0 = proposals[0]
    # pre-NMS top-n per level
    top_vals, top_idx = jax.lax.top_k(scores0, PRE_NMS)
    boxes = boxes0[top_idx]
    scores = jax.nn.sigmoid(top_vals)
    # clip boxes to image
    x1 = jnp.clip(boxes[:, 0], 0.0, IMG_W)
    y1 = jnp.clip(boxes[:, 1], 0.0, IMG_H)
    x2 = jnp.clip(boxes[:, 2], 0.0, IMG_W)
    y2 = jnp.clip(boxes[:, 3], 0.0, IMG_H)
    boxes = jnp.stack([x1, y1, x2, y2], axis=-1)
    # remove small boxes + score threshold (as masks to keep static shapes)
    valid = ((boxes[:, 2] - boxes[:, 0]) >= MIN_SIZE) & ((boxes[:, 3] - boxes[:, 1]) >= MIN_SIZE) & (scores >= SCORE_THRESH)
    masked_scores = jnp.where(valid, scores, -1.0)
    keep = _nms_keep_mask(boxes, masked_scores, NMS_THRESH)
    final_mask = keep & valid
    nms_scores = jnp.where(final_mask, scores, -1.0)
    final_scores, final_idx = jax.lax.top_k(nms_scores, POST_NMS)
    final_boxes = boxes[final_idx]
    return final_boxes, final_scores

if __name__ == "__main__":
    import jax
    _d = setup_inputs()
    print(jax.jit(kernel)(*tuple(_d.values())))

</pallas_src>

<mosaic_0001>
module attributes {stable_mosaic.version = 14 : i64} {
  func.func @_nms_body(%arg0: memref<2048x1xf32, #tpu.memory_space<vmem>>, %arg1: memref<4x2048xf32, #tpu.memory_space<vmem>>, %arg2: memref<2048x4xf32, #tpu.memory_space<vmem>>, %arg3: memref<2048x1xf32, #tpu.memory_space<vmem>>, %arg4: memref<2048x4xf32, #tpu.memory_space<vmem>>, %arg5: memref<2048x1xf32, #tpu.memory_space<vmem>>) attributes {dimension_semantics = [], scalar_prefetch = 0 : i64, scratch_operands = 1 : i64, tpu.core_type = #tpu.core_type<tc>} {
    %get3A = arith.constant 0 : index
    %get3A_0 = arith.constant 0 : index
    %get3A_1 = vector.load %arg2[%get3A, %get3A_0] : memref<2048x4xf32, #tpu.memory_space<vmem>>, vector<2048x4xf32>
    %jit3A = arith.constant 0.000000e+00 : f32
    %jit3A_2 = arith.constant 8.000000e+02 : f32
    %max3A = vector.broadcast %jit3A : f32 to vector<2048x4xf32>
    %max3A_3 = arith.maximumf %max3A, %get3A_1 : vector<2048x4xf32>
    %min3A = vector.broadcast %jit3A_2 : f32 to vector<2048x4xf32>
    %min3A_4 = arith.minimumf %min3A, %max3A_3 : vector<2048x4xf32>
    %swap3A = arith.constant 0 : index
    %swap3A_5 = arith.constant 0 : index
    %swap3A_6 = vector.load %arg4[%swap3A, %swap3A_5] : memref<2048x4xf32, #tpu.memory_space<vmem>>, vector<2048x4xf32>
    tpu.vector_store %arg4[%swap3A, %swap3A_5], %min3A_4 {strides = array<i32>} : memref<2048x4xf32, #tpu.memory_space<vmem>>, vector<2048x4xf32>,
    %get3A_7 = arith.constant 0 : index
    %get3A_8 = arith.constant 0 : index
    %get3A_9 = vector.load %arg1[%get3A_7, %get3A_8] : memref<4x2048xf32, #tpu.memory_space<vmem>>, vector<4x2048xf32>
    %jit3A_10 = arith.constant 0.000000e+00 : f32
    %jit3A_11 = arith.constant 8.000000e+02 : f32
    %max3A_12 = vector.broadcast %jit3A_10 : f32 to vector<4x2048xf32>
    %max3A_13 = arith.maximumf %max3A_12, %get3A_9 : vector<4x2048xf32>
    %min3A_14 = vector.broadcast %jit3A_11 : f32 to vector<4x2048xf32>
    %min3A_15 = arith.minimumf %min3A_14, %max3A_13 : vector<4x2048xf32>
    %slice3A = vector.extract_strided_slice %min3A_15 {offsets = [0, 0], sizes = [1, 2048], strides = [1, 1]} : vector<4x2048xf32> to vector<1x2048xf32>
    %slice3A_16 = vector.extract_strided_slice %min3A_15 {offsets = [1, 0], sizes = [1, 2048], strides = [1, 1]} : vector<4x2048xf32> to vector<1x2048xf32>
    %slice3A_17 = vector.extract_strided_slice %min3A_15 {offsets = [2, 0], sizes = [1, 2048], strides = [1, 1]} : vector<4x2048xf32> to vector<1x2048xf32>
    %slice3A_18 = vector.extract_strided_slice %min3A_15 {offsets = [3, 0], sizes = [1, 2048], strides = [1, 1]} : vector<4x2048xf32> to vector<1x2048xf32>
    %sub3A = arith.subf %slice3A_17, %slice3A : vector<1x2048xf32>
    %sub3A_19 = arith.subf %slice3A_18, %slice3A_16 : vector<1x2048xf32>
    %mul3A = arith.mulf %sub3A, %sub3A_19 : vector<1x2048xf32>
    %slice3A_20 = vector.extract_strided_slice %min3A_4 {offsets = [0, 0], sizes = [2048, 1], strides = [1, 1]} : vector<2048x4xf32> to vector<2048x1xf32>
    %slice3A_21 = vector.extract_strided_slice %min3A_4 {offsets = [0, 1], sizes = [2048, 1], strides = [1, 1]} : vector<2048x4xf32> to vector<2048x1xf32>
    %slice3A_22 = vector.extract_strided_slice %min3A_4 {offsets = [0, 2], sizes = [2048, 1], strides = [1, 1]} : vector<2048x4xf32> to vector<2048x1xf32>
    %slice3A_23 = vector.extract_strided_slice %min3A_4 {offsets = [0, 3], sizes = [2048, 1], strides = [1, 1]} : vector<2048x4xf32> to vector<2048x1xf32>
    %sub3A_24 = arith.subf %slice3A_22, %slice3A_20 : vector<2048x1xf32>
    %sub3A_25 = arith.subf %slice3A_23, %slice3A_21 : vector<2048x1xf32>
    %mul3A_26 = arith.mulf %sub3A_24, %sub3A_25 : vector<2048x1xf32>
    %get3A_27 = arith.constant 0 : index
    %get3A_28 = arith.constant 0 : index
    %get3A_29 = vector.load %arg0[%get3A_27, %get3A_28] : memref<2048x1xf32, #tpu.memory_space<vmem>>, vector<2048x1xf32>
    %logistic3A = arith.negf %get3A_29 : vector<2048x1xf32>
    %logistic3A_30 = math.exp %logistic3A : vector<2048x1xf32>
    %logistic3A_31 = arith.constant 1.000000e+00 : f32
    %logistic3A_32 = vector.broadcast %logistic3A_31 : f32 to vector<2048x1xf32>
    %logistic3A_33 = arith.addf %logistic3A_32, %logistic3A_30 : vector<2048x1xf32>
    %logistic3A_34 = arith.divf %logistic3A_32, %logistic3A_33 : vector<2048x1xf32>
    %ge3A = arith.constant 1.000000e-03 : f32
    %ge3A_35 = vector.broadcast %ge3A : f32 to vector<2048x1xf32>
    %ge3A_36 = arith.cmpf oge, %sub3A_24, %ge3A_35 : vector<2048x1xf32>
    %ge3A_37 = arith.constant 1.000000e-03 : f32
    %ge3A_38 = vector.broadcast %ge3A_37 : f32 to vector<2048x1xf32>
    %ge3A_39 = arith.cmpf oge, %sub3A_25, %ge3A_38 : vector<2048x1xf32>
    %and3A = arith.andi %ge3A_36, %ge3A_39 : vector<2048x1xi1>
    %ge3A_40 = arith.constant 0.000000e+00 : f32
    %ge3A_41 = vector.broadcast %ge3A_40 : f32 to vector<2048x1xf32>
    %ge3A_42 = arith.cmpf oge, %logistic3A_34, %ge3A_41 : vector<2048x1xf32>
    %and3A_43 = arith.andi %and3A, %ge3A_42 : vector<2048x1xi1>
    %broadcast_in_dim3A = arith.constant 1.000000e+00 : f32
    %broadcast_in_dim3A_44 = vector.broadcast %broadcast_in_dim3A : f32 to vector<2048x1xf32>
    %swap3A_45 = arith.constant 0 : index
    %swap3A_46 = arith.constant 0 : index
    %swap3A_47 = vector.load %arg5[%swap3A_45, %swap3A_46] : memref<2048x1xf32, #tpu.memory_space<vmem>>, vector<2048x1xf32>
    tpu.vector_store %arg5[%swap3A_45, %swap3A_46], %broadcast_in_dim3A_44 {strides = array<i32>} : memref<2048x1xf32, #tpu.memory_space<vmem>>, vector<2048x1xf32>,
    %iota3A = tpu.iota {dimensions = array<i32: 0>} : vector<2048x1xi32>
    %slice3A_48 = vector.extract_strided_slice %slice3A {offsets = [0, 0], sizes = [1, 256], strides = [1, 1]} : vector<1x2048xf32> to vector<1x256xf32>
    %slice3A_49 = vector.extract_strided_slice %slice3A_16 {offsets = [0, 0], sizes = [1, 256], strides = [1, 1]} : vector<1x2048xf32> to vector<1x256xf32>
    %slice3A_50 = vector.extract_strided_slice %slice3A_17 {offsets = [0, 0], sizes = [1, 256], strides = [1, 1]} : vector<1x2048xf32> to vector<1x256xf32>
    %slice3A_51 = vector.extract_strided_slice %slice3A_18 {offsets = [0, 0], sizes = [1, 256], strides = [1, 1]} : vector<1x2048xf32> to vector<1x256xf32>
    %slice3A_52 = vector.extract_strided_slice %mul3A {offsets = [0, 0], sizes = [1, 256], strides = [1, 1]} : vector<1x2048xf32> to vector<1x256xf32>
    %min3A_53 = vector.broadcast %slice3A_22 : vector<2048x1xf32> to vector<2048x256xf32>
    %min3A_54 = vector.broadcast %slice3A_50 : vector<1x256xf32> to vector<2048x256xf32>
    %min3A_55 = arith.minimumf %min3A_53, %min3A_54 : vector<2048x256xf32>
    %max3A_56 = vector.broadcast %slice3A_20 : vector<2048x1xf32> to vector<2048x256xf32>
    %max3A_57 = vector.broadcast %slice3A_48 : vector<1x256xf32> to vector<2048x256xf32>
    %max3A_58 = arith.maximumf %max3A_56, %max3A_57 : vector<2048x256xf32>
    %sub3A_59 = arith.subf %min3A_55, %max3A_58 : vector<2048x256xf32>
    %jit3A_60 = arith.constant 0.000000e+00 : f32
    %max3A_61 = vector.broadcast %jit3A_60 : f32 to vector<2048x256xf32>
    %max3A_62 = arith.maximumf %max3A_61, %sub3A_59 : vector<2048x256xf32>
    %min3A_63 = vector.broadcast %slice3A_23 : vector<2048x1xf32> to vector<2048x256xf32>
    %min3A_64 = vector.broadcast %slice3A_51 : vector<1x256xf32> to vector<2048x256xf32>
    %min3A_65 = arith.minimumf %min3A_63, %min3A_64 : vector<2048x256xf32>
    %max3A_66 = vector.broadcast %slice3A_21 : vector<2048x1xf32> to vector<2048x256xf32>
    %max3A_67 = vector.broadcast %slice3A_49 : vector<1x256xf32> to vector<2048x256xf32>
    %max3A_68 = arith.maximumf %max3A_66, %max3A_67 : vector<2048x256xf32>
    %sub3A_69 = arith.subf %min3A_65, %max3A_68 : vector<2048x256xf32>
    %jit3A_70 = arith.constant 0.000000e+00 : f32
    %max3A_71 = vector.broadcast %jit3A_70 : f32 to vector<2048x256xf32>
    %max3A_72 = arith.maximumf %max3A_71, %sub3A_69 : vector<2048x256xf32>
    %mul3A_73 = arith.mulf %max3A_62, %max3A_72 : vector<2048x256xf32>
    %add3A = vector.broadcast %mul3A_26 : vector<2048x1xf32> to vector<2048x256xf32>
    %add3A_74 = vector.broadcast %slice3A_52 : vector<1x256xf32> to vector<2048x256xf32>
    %add3A_75 = arith.addf %add3A, %add3A_74 : vector<2048x256xf32>
    %sub3A_76 = arith.subf %add3A_75, %mul3A_73 : vector<2048x256xf32>
    %add3A_77 = arith.constant 9.99999971E-10 : f32
    %add3A_78 = vector.broadcast %add3A_77 : f32 to vector<2048x256xf32>
    %add3A_79 = arith.addf %sub3A_76, %add3A_78 : vector<2048x256xf32>
    %div3A = arith.divf %mul3A_73, %add3A_79 : vector<2048x256xf32>
    %iota3A_80 = tpu.iota {dimensions = array<i32: 1>} : vector<2048x256xi32>
    %add3A_81 = arith.constant 0 : i32
    %add3A_82 = vector.broadcast %add3A_81 : i32 to vector<2048x256xi32>
    %add3A_83 = arith.addi %iota3A_80, %add3A_82 : vector<2048x256xi32>
    %gt3A = arith.constant 0.699999988 : f32
    %gt3A_84 = vector.broadcast %gt3A : f32 to vector<2048x256xf32>
    %gt3A_85 = arith.cmpf ogt, %div3A, %gt3A_84 : vector<2048x256xf32>
    %lt3A = vector.broadcast %iota3A : vector<2048x1xi32> to vector<2048x256xi32>
    %lt3A_86 = arith.cmpi slt, %add3A_83, %lt3A : vector<2048x256xi32>
    %and3A_87 = arith.andi %gt3A_85, %lt3A_86 : vector<2048x256xi1>
    %jit3A_88 = arith.constant 1.000000e+00 : f32
    %jit3A_89 = arith.constant 0.000000e+00 : f32
    %broadcast_in_dim3A_90 = vector.broadcast %jit3A_88 : f32 to vector<2048x256xf32>
    %broadcast_in_dim3A_91 = vector.broadcast %jit3A_89 : f32 to vector<2048x256xf32>
    %select_n3A = arith.select %and3A_87, %broadcast_in_dim3A_90, %broadcast_in_dim3A_91 : vector<2048x256xi1>, vector<2048x256xf32>
    %slice3A_92 = vector.extract_strided_slice %select_n3A {offsets = [0, 0], sizes = [256, 256], strides = [1, 1]} : vector<2048x256xf32> to vector<256x256xf32>
    %get3A_93 = arith.constant 0 : index
    %get3A_94 = arith.constant 0 : index
    %get3A_95 = vector.load %arg5[%get3A_93, %get3A_94] : memref<2048x1xf32, #tpu.memory_space<vmem>>, vector<256x1xf32>
    %dot_general3A = arith.constant dense<0.000000e+00> : vector<256x1xf32>
    %dot_general3A_96 = tpu.matmul %slice3A_92, %get3A_95, %dot_general3A {dimension_numbers = #tpu.dot_dimension_numbers<[1], [0], [0], [1], [0, 0, 1, 1], [], []>, transpose_lhs_hint = false} : vector<256x256xf32>, vector<256x1xf32>, vector<256x1xf32> -> vector<256x1xf32>
    %gt3A_97 = arith.constant 5.000000e-01 : f32
    %gt3A_98 = vector.broadcast %gt3A_97 : f32 to vector<256x1xf32>
    %gt3A_99 = arith.cmpf ogt, %dot_general3A_96, %gt3A_98 : vector<256x1xf32>
    %jit3A_100 = arith.constant 0.000000e+00 : f32
    %broadcast_in_dim3A_101 = vector.broadcast %jit3A_100 : f32 to vector<256x1xf32>
    %select_n3A_102 = arith.select %gt3A_99, %broadcast_in_dim3A_101, %get3A_95 : vector<256x1xi1>, vector<256x1xf32>
    %while3A:2 = scf.while (%while3A_700 = %get3A_95, %while3A_701 = %select_n3A_102) : (vector<256x1xf32>, vector<256x1xf32>) -> (vector<256x1xf32>, vector<256x1xf32>) {
      %ne3A = arith.cmpf one, %while3A_700, %while3A_701 : vector<256x1xf32>
      %reduce_or3A = arith.constant 1.000000e+00 : f32
      %reduce_or3A_702 = arith.constant 0.000000e+00 : f32
      %reduce_or3A_703 = vector.broadcast %reduce_or3A : f32 to vector<256x1xf32>
      %reduce_or3A_704 = vector.broadcast %reduce_or3A_702 : f32 to vector<256x1xf32>
      %reduce_or3A_705 = arith.select %ne3A, %reduce_or3A_703, %reduce_or3A_704 : vector<256x1xi1>, vector<256x1xf32>
      %reduce_or3A_706 = vector.shape_cast %reduce_or3A_705 : vector<256x1xf32> to vector<1x256x1xf32>
      %reduce_or3A_707 = arith.constant dense<0xFF800000> : vector<1xf32>
      %reduce_or3A_708 = vector.multi_reduction <maximumf>, %reduce_or3A_706, %reduce_or3A_707 [1, 2] : vector<1x256x1xf32> to vector<1xf32>
      %reduce_or3A_709 = vector.shape_cast %reduce_or3A_708 : vector<1xf32> to vector<1x1x1xf32>
      %reduce_or3A_710 = vector.extract %reduce_or3A_709[0, 0, 0] : f32 from vector<1x1x1xf32>
      %reduce_or3A_711 = arith.constant 0.000000e+00 : f32
      %reduce_or3A_712 = arith.cmpf ogt, %reduce_or3A_710, %reduce_or3A_711 : f32
      scf.condition(%reduce_or3A_712) %while3A_700, %while3A_701 : vector<256x1xf32>, vector<256x1xf32>
    } do {
    ^bb0(%while3A_700: vector<256x1xf32>, %while3A_701: vector<256x1xf32>):
      %dot_general3A_702 = arith.constant dense<0.000000e+00> : vector<256x1xf32>
      %dot_general3A_703 = tpu.matmul %slice3A_92, %while3A_701, %dot_general3A_702 {dimension_numbers = #tpu.dot_dimension_numbers<[1], [0], [0], [1], [0, 0, 1, 1], [], []>, transpose_lhs_hint = false} : vector<256x256xf32>, vector<256x1xf32>, vector<256x1xf32> -> vector<256x1xf32>
      %gt3A_704 = arith.constant 5.000000e-01 : f32
      %gt3A_705 = vector.broadcast %gt3A_704 : f32 to vector<256x1xf32>
      %gt3A_706 = arith.cmpf ogt, %dot_general3A_703, %gt3A_705 : vector<256x1xf32>
      %jit3A_707 = arith.constant 0.000000e+00 : f32
      %broadcast_in_dim3A_708 = vector.broadcast %jit3A_707 : f32 to vector<256x1xf32>
      %select_n3A_709 = arith.select %gt3A_706, %broadcast_in_dim3A_708, %get3A_95 : vector<256x1xi1>, vector<256x1xf32>
      scf.yield %while3A_701, %select_n3A_709 : vector<256x1xf32>, vector<256x1xf32>
    }
    %swap3A_103 = arith.constant 0 : index
    %swap3A_104 = arith.constant 0 : index
    %swap3A_105 = vector.load %arg5[%swap3A_103, %swap3A_104] : memref<2048x1xf32, #tpu.memory_space<vmem>>, vector<256x1xf32>
    tpu.vector_store %arg5[%swap3A_103, %swap3A_104], %while3A#1 {strides = array<i32>} : memref<2048x1xf32, #tpu.memory_space<vmem>>, vector<256x1xf32>,
    %dot_general3A_106 = arith.constant dense<0.000000e+00> : vector<2048x1xf32>
    %dot_general3A_107 = tpu.matmul %select_n3A, %while3A#1, %dot_general3A_106 {dimension_numbers = #tpu.dot_dimension_numbers<[1], [0], [0], [1], [0, 0, 1, 1], [], []>, transpose_lhs_hint = false} : vector<2048x256xf32>, vector<256x1xf32>, vector<2048x1xf32> -> vector<2048x1xf32>
    %gt3A_108 = arith.constant 5.000000e-01 : f32
    %gt3A_109 = vector.broadcast %gt3A_108 : f32 to vector<2048x1xf32>
    %gt3A_110 = arith.cmpf ogt, %dot_general3A_107, %gt3A_109 : vector<2048x1xf32>
    %ge3A_111 = arith.constant 256 : i32
    %ge3A_112 = vector.broadcast %ge3A_111 : i32 to vector<2048x1xi32>
    %ge3A_113 = arith.cmpi sge, %iota3A, %ge3A_112 : vector<2048x1xi32>
    %and3A_114 = arith.andi %gt3A_110, %ge3A_113 : vector<2048x1xi1>
    %get3A_115 = arith.constant 0 : index
    %get3A_116 = arith.constant 0 : index
    %get3A_117 = vector.load %arg5[%get3A_115, %get3A_116] : memref<2048x1xf32, #tpu.memory_space<vmem>>, vector<2048x1xf32>
    %jit3A_118 = arith.constant 0.000000e+00 : f32
    %broadcast_in_dim3A_119 = vector.broadcast %jit3A_118 : f32 to vector<2048x1xf32>
    %select_n3A_120 = arith.select %and3A_114, %broadcast_in_dim3A_119, %get3A_117 : vector<2048x1xi1>, vector<2048x1xf32>
    %swap3A_121 = arith.constant 0 : index
    %swap3A_122 = arith.constant 0 : index
    %swap3A_123 = vector.load %arg5[%swap3A_121, %swap3A_122] : memref<2048x1xf32, #tpu.memory_space<vmem>>, vector<2048x1xf32>
    tpu.vector_store %arg5[%swap3A_121, %swap3A_122], %select_n3A_120 {strides = array<i32>} : memref<2048x1xf32, #tpu.memory_space<vmem>>, vector<2048x1xf32>,
    %slice3A_124 = vector.extract_strided_slice %slice3A {offsets = [0, 256], sizes = [1, 256], strides = [1, 1]} : vector<1x2048xf32> to vector<1x256xf32>
    %slice3A_125 = vector.extract_strided_slice %slice3A_16 {offsets = [0, 256], sizes = [1, 256], strides = [1, 1]} : vector<1x2048xf32> to vector<1x256xf32>
    %slice3A_126 = vector.extract_strided_slice %slice3A_17 {offsets = [0, 256], sizes = [1, 256], strides = [1, 1]} : vector<1x2048xf32> to vector<1x256xf32>
    %slice3A_127 = vector.extract_strided_slice %slice3A_18 {offsets = [0, 256], sizes = [1, 256], strides = [1, 1]} : vector<1x2048xf32> to vector<1x256xf32>
    %slice3A_128 = vector.extract_strided_slice %mul3A {offsets = [0, 256], sizes = [1, 256], strides = [1, 1]} : vector<1x2048xf32> to vector<1x256xf32>
    %min3A_129 = vector.broadcast %slice3A_22 : vector<2048x1xf32> to vector<2048x256xf32>
    %min3A_130 = vector.broadcast %slice3A_126 : vector<1x256xf32> to vector<2048x256xf32>
    %min3A_131 = arith.minimumf %min3A_129, %min3A_130 : vector<2048x256xf32>
    %max3A_132 = vector.broadcast %slice3A_20 : vector<2048x1xf32> to vector<2048x256xf32>
    %max3A_133 = vector.broadcast %slice3A_124 : vector<1x256xf32> to vector<2048x256xf32>
    %max3A_134 = arith.maximumf %max3A_132, %max3A_133 : vector<2048x256xf32>
    %sub3A_135 = arith.subf %min3A_131, %max3A_134 : vector<2048x256xf32>
    %jit3A_136 = arith.constant 0.000000e+00 : f32
    %max3A_137 = vector.broadcast %jit3A_136 : f32 to vector<2048x256xf32>
    %max3A_138 = arith.maximumf %max3A_137, %sub3A_135 : vector<2048x256xf32>
    %min3A_139 = vector.broadcast %slice3A_23 : vector<2048x1xf32> to vector<2048x256xf32>
    %min3A_140 = vector.broadcast %slice3A_127 : vector<1x256xf32> to vector<2048x256xf32>
    %min3A_141 = arith.minimumf %min3A_139, %min3A_140 : vector<2048x256xf32>
    %max3A_142 = vector.broadcast %slice3A_21 : vector<2048x1xf32> to vector<2048x256xf32>
    %max3A_143 = vector.broadcast %slice3A_125 : vector<1x256xf32> to vector<2048x256xf32>
    %max3A_144 = arith.maximumf %max3A_142, %max3A_143 : vector<2048x256xf32>
    %sub3A_145 = arith.subf %min3A_141, %max3A_144 : vector<2048x256xf32>
    %jit3A_146 = arith.constant 0.000000e+00 : f32
    %max3A_147 = vector.broadcast %jit3A_146 : f32 to vector<2048x256xf32>
    %max3A_148 = arith.maximumf %max3A_147, %sub3A_145 : vector<2048x256xf32>
    %mul3A_149 = arith.mulf %max3A_138, %max3A_148 : vector<2048x256xf32>
    %add3A_150 = vector.broadcast %mul3A_26 : vector<2048x1xf32> to vector<2048x256xf32>
    %add3A_151 = vector.broadcast %slice3A_128 : vector<1x256xf32> to vector<2048x256xf32>
    %add3A_152 = arith.addf %add3A_150, %add3A_151 : vector<2048x256xf32>
    %sub3A_153 = arith.subf %add3A_152, %mul3A_149 : vector<2048x256xf32>
    %add3A_154 = arith.constant 9.99999971E-10 : f32
    %add3A_155 = vector.broadcast %add3A_154 : f32 to vector<2048x256xf32>
    %add3A_156 = arith.addf %sub3A_153, %add3A_155 : vector<2048x256xf32>
    %div3A_157 = arith.divf %mul3A_149, %add3A_156 : vector<2048x256xf32>
    %iota3A_158 = tpu.iota {dimensions = array<i32: 1>} : vector<2048x256xi32>
    %add3A_159 = arith.constant 256 : i32
    %add3A_160 = vector.broadcast %add3A_159 : i32 to vector<2048x256xi32>
    %add3A_161 = arith.addi %iota3A_158, %add3A_160 : vector<2048x256xi32>
    %gt3A_162 = arith.constant 0.699999988 : f32
    %gt3A_163 = vector.broadcast %gt3A_162 : f32 to vector<2048x256xf32>
    %gt3A_164 = arith.cmpf ogt, %div3A_157, %gt3A_163 : vector<2048x256xf32>
    %lt3A_165 = vector.broadcast %iota3A : vector<2048x1xi32> to vector<2048x256xi32>
    %lt3A_166 = arith.cmpi slt, %add3A_161, %lt3A_165 : vector<2048x256xi32>
    %and3A_167 = arith.andi %gt3A_164, %lt3A_166 : vector<2048x256xi1>
    %jit3A_168 = arith.constant 1.000000e+00 : f32
    %jit3A_169 = arith.constant 0.000000e+00 : f32
    %broadcast_in_dim3A_170 = vector.broadcast %jit3A_168 : f32 to vector<2048x256xf32>
    %broadcast_in_dim3A_171 = vector.broadcast %jit3A_169 : f32 to vector<2048x256xf32>
    %select_n3A_172 = arith.select %and3A_167, %broadcast_in_dim3A_170, %broadcast_in_dim3A_171 : vector<2048x256xi1>, vector<2048x256xf32>
    %slice3A_173 = vector.extract_strided_slice %select_n3A_172 {offsets = [256, 0], sizes = [256, 256], strides = [1, 1]} : vector<2048x256xf32> to vector<256x256xf32>
    %get3A_174 = arith.constant 256 : index
    %get3A_175 = arith.constant 0 : index
    %get3A_176 = vector.load %arg5[%get3A_174, %get3A_175] : memref<2048x1xf32, #tpu.memory_space<vmem>>, vector<256x1xf32>
    %dot_general3A_177 = arith.constant dense<0.000000e+00> : vector<256x1xf32>
    %dot_general3A_178 = tpu.matmul %slice3A_173, %get3A_176, %dot_general3A_177 {dimension_numbers = #tpu.dot_dimension_numbers<[1], [0], [0], [1], [0, 0, 1, 1], [], []>, transpose_lhs_hint = false} : vector<256x256xf32>, vector<256x1xf32>, vector<256x1xf32> -> vector<256x1xf32>
    %gt3A_179 = arith.constant 5.000000e-01 : f32
    %gt3A_180 = vector.broadcast %gt3A_179 : f32 to vector<256x1xf32>
    %gt3A_181 = arith.cmpf ogt, %dot_general3A_178, %gt3A_180 : vector<256x1xf32>
    %jit3A_182 = arith.constant 0.000000e+00 : f32
    %broadcast_in_dim3A_183 = vector.broadcast %jit3A_182 : f32 to vector<256x1xf32>
    %select_n3A_184 = arith.select %gt3A_181, %broadcast_in_dim3A_183, %get3A_176 : vector<256x1xi1>, vector<256x1xf32>
    %while3A_185:2 = scf.while (%while3A_700 = %get3A_176, %while3A_701 = %select_n3A_184) : (vector<256x1xf32>, vector<256x1xf32>) -> (vector<256x1xf32>, vector<256x1xf32>) {
      %ne3A = arith.cmpf one, %while3A_700, %while3A_701 : vector<256x1xf32>
      %reduce_or3A = arith.constant 1.000000e+00 : f32
      %reduce_or3A_702 = arith.constant 0.000000e+00 : f32
      %reduce_or3A_703 = vector.broadcast %reduce_or3A : f32 to vector<256x1xf32>
      %reduce_or3A_704 = vector.broadcast %reduce_or3A_702 : f32 to vector<256x1xf32>
      %reduce_or3A_705 = arith.select %ne3A, %reduce_or3A_703, %reduce_or3A_704 : vector<256x1xi1>, vector<256x1xf32>
      %reduce_or3A_706 = vector.shape_cast %reduce_or3A_705 : vector<256x1xf32> to vector<1x256x1xf32>
      %reduce_or3A_707 = arith.constant dense<0xFF800000> : vector<1xf32>
      %reduce_or3A_708 = vector.multi_reduction <maximumf>, %reduce_or3A_706, %reduce_or3A_707 [1, 2] : vector<1x256x1xf32> to vector<1xf32>
      %reduce_or3A_709 = vector.shape_cast %reduce_or3A_708 : vector<1xf32> to vector<1x1x1xf32>
      %reduce_or3A_710 = vector.extract %reduce_or3A_709[0, 0, 0] : f32 from vector<1x1x1xf32>
      %reduce_or3A_711 = arith.constant 0.000000e+00 : f32
      %reduce_or3A_712 = arith.cmpf ogt, %reduce_or3A_710, %reduce_or3A_711 : f32
      scf.condition(%reduce_or3A_712) %while3A_700, %while3A_701 : vector<256x1xf32>, vector<256x1xf32>
    } do {
    ^bb0(%while3A_700: vector<256x1xf32>, %while3A_701: vector<256x1xf32>):
      %dot_general3A_702 = arith.constant dense<0.000000e+00> : vector<256x1xf32>
      %dot_general3A_703 = tpu.matmul %slice3A_173, %while3A_701, %dot_general3A_702 {dimension_numbers = #tpu.dot_dimension_numbers<[1], [0], [0], [1], [0, 0, 1, 1], [], []>, transpose_lhs_hint = false} : vector<256x256xf32>, vector<256x1xf32>, vector<256x1xf32> -> vector<256x1xf32>
      %gt3A_704 = arith.constant 5.000000e-01 : f32
      %gt3A_705 = vector.broadcast %gt3A_704 : f32 to vector<256x1xf32>
      %gt3A_706 = arith.cmpf ogt, %dot_general3A_703, %gt3A_705 : vector<256x1xf32>
      %jit3A_707 = arith.constant 0.000000e+00 : f32
      %broadcast_in_dim3A_708 = vector.broadcast %jit3A_707 : f32 to vector<256x1xf32>
      %select_n3A_709 = arith.select %gt3A_706, %broadcast_in_dim3A_708, %get3A_176 : vector<256x1xi1>, vector<256x1xf32>
      scf.yield %while3A_701, %select_n3A_709 : vector<256x1xf32>, vector<256x1xf32>
    }
    %swap3A_186 = arith.constant 256 : index
    %swap3A_187 = arith.constant 0 : index
    %swap3A_188 = vector.load %arg5[%swap3A_186, %swap3A_187] : memref<2048x1xf32, #tpu.memory_space<vmem>>, vector<256x1xf32>
    tpu.vector_store %arg5[%swap3A_186, %swap3A_187], %while3A_185#1 {strides = array<i32>} : memref<2048x1xf32, #tpu.memory_space<vmem>>, vector<256x1xf32>,
    %dot_general3A_189 = arith.constant dense<0.000000e+00> : vector<2048x1xf32>
    %dot_general3A_190 = tpu.matmul %select_n3A_172, %while3A_185#1, %dot_general3A_189 {dimension_numbers = #tpu.dot_dimension_numbers<[1], [0], [0], [1], [0, 0, 1, 1], [], []>, transpose_lhs_hint = false} : vector<2048x256xf32>, vector<256x1xf32>, vector<2048x1xf32> -> vector<2048x1xf32>
    %gt3A_191 = arith.constant 5.000000e-01 : f32
    %gt3A_192 = vector.broadcast %gt3A_191 : f32 to vector<2048x1xf32>
    %gt3A_193 = arith.cmpf ogt, %dot_general3A_190, %gt3A_192 : vector<2048x1xf32>
    %ge3A_194 = arith.constant 512 : i32
    %ge3A_195 = vector.broadcast %ge3A_194 : i32 to vector<2048x1xi32>
    %ge3A_196 = arith.cmpi sge, %iota3A, %ge3A_195 : vector<2048x1xi32>
    %and3A_197 = arith.andi %gt3A_193, %ge3A_196 : vector<2048x1xi1>
    %get3A_198 = arith.constant 0 : index
    %get3A_199 = arith.constant 0 : index
    %get3A_200 = vector.load %arg5[%get3A_198, %get3A_199] : memref<2048x1xf32, #tpu.memory_space<vmem>>, vector<2048x1xf32>
    %jit3A_201 = arith.constant 0.000000e+00 : f32
    %broadcast_in_dim3A_202 = vector.broadcast %jit3A_201 : f32 to vector<2048x1xf32>
    %select_n3A_203 = arith.select %and3A_197, %broadcast_in_dim3A_202, %get3A_200 : vector<2048x1xi1>, vector<2048x1xf32>
    %swap3A_204 = arith.constant 0 : index
    %swap3A_205 = arith.constant 0 : index
    %swap3A_206 = vector.load %arg5[%swap3A_204, %swap3A_205] : memref<2048x1xf32, #tpu.memory_space<vmem>>, vector<2048x1xf32>
    tpu.vector_store %arg5[%swap3A_204, %swap3A_205], %select_n3A_203 {strides = array<i32>} : memref<2048x1xf32, #tpu.memory_space<vmem>>, vector<2048x1xf32>,
    %slice3A_207 = vector.extract_strided_slice %slice3A {offsets = [0, 512], sizes = [1, 256], strides = [1, 1]} : vector<1x2048xf32> to vector<1x256xf32>
    %slice3A_208 = vector.extract_strided_slice %slice3A_16 {offsets = [0, 512], sizes = [1, 256], strides = [1, 1]} : vector<1x2048xf32> to vector<1x256xf32>
    %slice3A_209 = vector.extract_strided_slice %slice3A_17 {offsets = [0, 512], sizes = [1, 256], strides = [1, 1]} : vector<1x2048xf32> to vector<1x256xf32>
    %slice3A_210 = vector.extract_strided_slice %slice3A_18 {offsets = [0, 512], sizes = [1, 256], strides = [1, 1]} : vector<1x2048xf32> to vector<1x256xf32>
    %slice3A_211 = vector.extract_strided_slice %mul3A {offsets = [0, 512], sizes = [1, 256], strides = [1, 1]} : vector<1x2048xf32> to vector<1x256xf32>
    %min3A_212 = vector.broadcast %slice3A_22 : vector<2048x1xf32> to vector<2048x256xf32>
    %min3A_213 = vector.broadcast %slice3A_209 : vector<1x256xf32> to vector<2048x256xf32>
    %min3A_214 = arith.minimumf %min3A_212, %min3A_213 : vector<2048x256xf32>
    %max3A_215 = vector.broadcast %slice3A_20 : vector<2048x1xf32> to vector<2048x256xf32>
    %max3A_216 = vector.broadcast %slice3A_207 : vector<1x256xf32> to vector<2048x256xf32>
    %max3A_217 = arith.maximumf %max3A_215, %max3A_216 : vector<2048x256xf32>
    %sub3A_218 = arith.subf %min3A_214, %max3A_217 : vector<2048x256xf32>
    %jit3A_219 = arith.constant 0.000000e+00 : f32
    %max3A_220 = vector.broadcast %jit3A_219 : f32 to vector<2048x256xf32>
    %max3A_221 = arith.maximumf %max3A_220, %sub3A_218 : vector<2048x256xf32>
    %min3A_222 = vector.broadcast %slice3A_23 : vector<2048x1xf32> to vector<2048x256xf32>
    %min3A_223 = vector.broadcast %slice3A_210 : vector<1x256xf32> to vector<2048x256xf32>
    %min3A_224 = arith.minimumf %min3A_222, %min3A_223 : vector<2048x256xf32>
    %max3A_225 = vector.broadcast %slice3A_21 : vector<2048x1xf32> to vector<2048x256xf32>
    %max3A_226 = vector.broadcast %slice3A_208 : vector<1x256xf32> to vector<2048x256xf32>
    %max3A_227 = arith.maximumf %max3A_225, %max3A_226 : vector<2048x256xf32>
    %sub3A_228 = arith.subf %min3A_224, %max3A_227 : vector<2048x256xf32>
    %jit3A_229 = arith.constant 0.000000e+00 : f32
    %max3A_230 = vector.broadcast %jit3A_229 : f32 to vector<2048x256xf32>
    %max3A_231 = arith.maximumf %max3A_230, %sub3A_228 : vector<2048x256xf32>
    %mul3A_232 = arith.mulf %max3A_221, %max3A_231 : vector<2048x256xf32>
    %add3A_233 = vector.broadcast %mul3A_26 : vector<2048x1xf32> to vector<2048x256xf32>
    %add3A_234 = vector.broadcast %slice3A_211 : vector<1x256xf32> to vector<2048x256xf32>
    %add3A_235 = arith.addf %add3A_233, %add3A_234 : vector<2048x256xf32>
    %sub3A_236 = arith.subf %add3A_235, %mul3A_232 : vector<2048x256xf32>
    %add3A_237 = arith.constant 9.99999971E-10 : f32
    %add3A_238 = vector.broadcast %add3A_237 : f32 to vector<2048x256xf32>
    %add3A_239 = arith.addf %sub3A_236, %add3A_238 : vector<2048x256xf32>
    %div3A_240 = arith.divf %mul3A_232, %add3A_239 : vector<2048x256xf32>
    %iota3A_241 = tpu.iota {dimensions = array<i32: 1>} : vector<2048x256xi32>
    %add3A_242 = arith.constant 512 : i32
    %add3A_243 = vector.broadcast %add3A_242 : i32 to vector<2048x256xi32>
    %add3A_244 = arith.addi %iota3A_241, %add3A_243 : vector<2048x256xi32>
    %gt3A_245 = arith.constant 0.699999988 : f32
    %gt3A_246 = vector.broadcast %gt3A_245 : f32 to vector<2048x256xf32>
    %gt3A_247 = arith.cmpf ogt, %div3A_240, %gt3A_246 : vector<2048x256xf32>
    %lt3A_248 = vector.broadcast %iota3A : vector<2048x1xi32> to vector<2048x256xi32>
    %lt3A_249 = arith.cmpi slt, %add3A_244, %lt3A_248 : vector<2048x256xi32>
    %and3A_250 = arith.andi %gt3A_247, %lt3A_249 : vector<2048x256xi1>
    %jit3A_251 = arith.constant 1.000000e+00 : f32
    %jit3A_252 = arith.constant 0.000000e+00 : f32
    %broadcast_in_dim3A_253 = vector.broadcast %jit3A_251 : f32 to vector<2048x256xf32>
    %broadcast_in_dim3A_254 = vector.broadcast %jit3A_252 : f32 to vector<2048x256xf32>
    %select_n3A_255 = arith.select %and3A_250, %broadcast_in_dim3A_253, %broadcast_in_dim3A_254 : vector<2048x256xi1>, vector<2048x256xf32>
    %slice3A_256 = vector.extract_strided_slice %select_n3A_255 {offsets = [512, 0], sizes = [256, 256], strides = [1, 1]} : vector<2048x256xf32> to vector<256x256xf32>
    %get3A_257 = arith.constant 512 : index
    %get3A_258 = arith.constant 0 : index
    %get3A_259 = vector.load %arg5[%get3A_257, %get3A_258] : memref<2048x1xf32, #tpu.memory_space<vmem>>, vector<256x1xf32>
    %dot_general3A_260 = arith.constant dense<0.000000e+00> : vector<256x1xf32>
    %dot_general3A_261 = tpu.matmul %slice3A_256, %get3A_259, %dot_general3A_260 {dimension_numbers = #tpu.dot_dimension_numbers<[1], [0], [0], [1], [0, 0, 1, 1], [], []>, transpose_lhs_hint = false} : vector<256x256xf32>, vector<256x1xf32>, vector<256x1xf32> -> vector<256x1xf32>
    %gt3A_262 = arith.constant 5.000000e-01 : f32
    %gt3A_263 = vector.broadcast %gt3A_262 : f32 to vector<256x1xf32>
    %gt3A_264 = arith.cmpf ogt, %dot_general3A_261, %gt3A_263 : vector<256x1xf32>
    %jit3A_265 = arith.constant 0.000000e+00 : f32
    %broadcast_in_dim3A_266 = vector.broadcast %jit3A_265 : f32 to vector<256x1xf32>
    %select_n3A_267 = arith.select %gt3A_264, %broadcast_in_dim3A_266, %get3A_259 : vector<256x1xi1>, vector<256x1xf32>
    %while3A_268:2 = scf.while (%while3A_700 = %get3A_259, %while3A_701 = %select_n3A_267) : (vector<256x1xf32>, vector<256x1xf32>) -> (vector<256x1xf32>, vector<256x1xf32>) {
      %ne3A = arith.cmpf one, %while3A_700, %while3A_701 : vector<256x1xf32>
      %reduce_or3A = arith.constant 1.000000e+00 : f32
      %reduce_or3A_702 = arith.constant 0.000000e+00 : f32
      %reduce_or3A_703 = vector.broadcast %reduce_or3A : f32 to vector<256x1xf32>
      %reduce_or3A_704 = vector.broadcast %reduce_or3A_702 : f32 to vector<256x1xf32>
      %reduce_or3A_705 = arith.select %ne3A, %reduce_or3A_703, %reduce_or3A_704 : vector<256x1xi1>, vector<256x1xf32>
      %reduce_or3A_706 = vector.shape_cast %reduce_or3A_705 : vector<256x1xf32> to vector<1x256x1xf32>
      %reduce_or3A_707 = arith.constant dense<0xFF800000> : vector<1xf32>
      %reduce_or3A_708 = vector.multi_reduction <maximumf>, %reduce_or3A_706, %reduce_or3A_707 [1, 2] : vector<1x256x1xf32> to vector<1xf32>
      %reduce_or3A_709 = vector.shape_cast %reduce_or3A_708 : vector<1xf32> to vector<1x1x1xf32>
      %reduce_or3A_710 = vector.extract %reduce_or3A_709[0, 0, 0] : f32 from vector<1x1x1xf32>
      %reduce_or3A_711 = arith.constant 0.000000e+00 : f32
      %reduce_or3A_712 = arith.cmpf ogt, %reduce_or3A_710, %reduce_or3A_711 : f32
      scf.condition(%reduce_or3A_712) %while3A_700, %while3A_701 : vector<256x1xf32>, vector<256x1xf32>
    } do {
    ^bb0(%while3A_700: vector<256x1xf32>, %while3A_701: vector<256x1xf32>):
      %dot_general3A_702 = arith.constant dense<0.000000e+00> : vector<256x1xf32>
      %dot_general3A_703 = tpu.matmul %slice3A_256, %while3A_701, %dot_general3A_702 {dimension_numbers = #tpu.dot_dimension_numbers<[1], [0], [0], [1], [0, 0, 1, 1], [], []>, transpose_lhs_hint = false} : vector<256x256xf32>, vector<256x1xf32>, vector<256x1xf32> -> vector<256x1xf32>
      %gt3A_704 = arith.constant 5.000000e-01 : f32
      %gt3A_705 = vector.broadcast %gt3A_704 : f32 to vector<256x1xf32>
      %gt3A_706 = arith.cmpf ogt, %dot_general3A_703, %gt3A_705 : vector<256x1xf32>
      %jit3A_707 = arith.constant 0.000000e+00 : f32
      %broadcast_in_dim3A_708 = vector.broadcast %jit3A_707 : f32 to vector<256x1xf32>
      %select_n3A_709 = arith.select %gt3A_706, %broadcast_in_dim3A_708, %get3A_259 : vector<256x1xi1>, vector<256x1xf32>
      scf.yield %while3A_701, %select_n3A_709 : vector<256x1xf32>, vector<256x1xf32>
    }
    %swap3A_269 = arith.constant 512 : index
    %swap3A_270 = arith.constant 0 : index
    %swap3A_271 = vector.load %arg5[%swap3A_269, %swap3A_270] : memref<2048x1xf32, #tpu.memory_space<vmem>>, vector<256x1xf32>
    tpu.vector_store %arg5[%swap3A_269, %swap3A_270], %while3A_268#1 {strides = array<i32>} : memref<2048x1xf32, #tpu.memory_space<vmem>>, vector<256x1xf32>,
    %dot_general3A_272 = arith.constant dense<0.000000e+00> : vector<2048x1xf32>
    %dot_general3A_273 = tpu.matmul %select_n3A_255, %while3A_268#1, %dot_general3A_272 {dimension_numbers = #tpu.dot_dimension_numbers<[1], [0], [0], [1], [0, 0, 1, 1], [], []>, transpose_lhs_hint = false} : vector<2048x256xf32>, vector<256x1xf32>, vector<2048x1xf32> -> vector<2048x1xf32>
    %gt3A_274 = arith.constant 5.000000e-01 : f32
    %gt3A_275 = vector.broadcast %gt3A_274 : f32 to vector<2048x1xf32>
    %gt3A_276 = arith.cmpf ogt, %dot_general3A_273, %gt3A_275 : vector<2048x1xf32>
    %ge3A_277 = arith.constant 768 : i32
    %ge3A_278 = vector.broadcast %ge3A_277 : i32 to vector<2048x1xi32>
    %ge3A_279 = arith.cmpi sge, %iota3A, %ge3A_278 : vector<2048x1xi32>
    %and3A_280 = arith.andi %gt3A_276, %ge3A_279 : vector<2048x1xi1>
    %get3A_281 = arith.constant 0 : index
    %get3A_282 = arith.constant 0 : index
    %get3A_283 = vector.load %arg5[%get3A_281, %get3A_282] : memref<2048x1xf32, #tpu.memory_space<vmem>>, vector<2048x1xf32>
    %jit3A_284 = arith.constant 0.000000e+00 : f32
    %broadcast_in_dim3A_285 = vector.broadcast %jit3A_284 : f32 to vector<2048x1xf32>
    %select_n3A_286 = arith.select %and3A_280, %broadcast_in_dim3A_285, %get3A_283 : vector<2048x1xi1>, vector<2048x1xf32>
    %swap3A_287 = arith.constant 0 : index
    %swap3A_288 = arith.constant 0 : index
    %swap3A_289 = vector.load %arg5[%swap3A_287, %swap3A_288] : memref<2048x1xf32, #tpu.memory_space<vmem>>, vector<2048x1xf32>
    tpu.vector_store %arg5[%swap3A_287, %swap3A_288], %select_n3A_286 {strides = array<i32>} : memref<2048x1xf32, #tpu.memory_space<vmem>>, vector<2048x1xf32>,
    %slice3A_290 = vector.extract_strided_slice %slice3A {offsets = [0, 768], sizes = [1, 256], strides = [1, 1]} : vector<1x2048xf32> to vector<1x256xf32>
    %slice3A_291 = vector.extract_strided_slice %slice3A_16 {offsets = [0, 768], sizes = [1, 256], strides = [1, 1]} : vector<1x2048xf32> to vector<1x256xf32>
    %slice3A_292 = vector.extract_strided_slice %slice3A_17 {offsets = [0, 768], sizes = [1, 256], strides = [1, 1]} : vector<1x2048xf32> to vector<1x256xf32>
    %slice3A_293 = vector.extract_strided_slice %slice3A_18 {offsets = [0, 768], sizes = [1, 256], strides = [1, 1]} : vector<1x2048xf32> to vector<1x256xf32>
    %slice3A_294 = vector.extract_strided_slice %mul3A {offsets = [0, 768], sizes = [1, 256], strides = [1, 1]} : vector<1x2048xf32> to vector<1x256xf32>
    %min3A_295 = vector.broadcast %slice3A_22 : vector<2048x1xf32> to vector<2048x256xf32>
    %min3A_296 = vector.broadcast %slice3A_292 : vector<1x256xf32> to vector<2048x256xf32>
    %min3A_297 = arith.minimumf %min3A_295, %min3A_296 : vector<2048x256xf32>
    %max3A_298 = vector.broadcast %slice3A_20 : vector<2048x1xf32> to vector<2048x256xf32>
    %max3A_299 = vector.broadcast %slice3A_290 : vector<1x256xf32> to vector<2048x256xf32>
    %max3A_300 = arith.maximumf %max3A_298, %max3A_299 : vector<2048x256xf32>
    %sub3A_301 = arith.subf %min3A_297, %max3A_300 : vector<2048x256xf32>
    %jit3A_302 = arith.constant 0.000000e+00 : f32
    %max3A_303 = vector.broadcast %jit3A_302 : f32 to vector<2048x256xf32>
    %max3A_304 = arith.maximumf %max3A_303, %sub3A_301 : vector<2048x256xf32>
    %min3A_305 = vector.broadcast %slice3A_23 : vector<2048x1xf32> to vector<2048x256xf32>
    %min3A_306 = vector.broadcast %slice3A_293 : vector<1x256xf32> to vector<2048x256xf32>
    %min3A_307 = arith.minimumf %min3A_305, %min3A_306 : vector<2048x256xf32>
    %max3A_308 = vector.broadcast %slice3A_21 : vector<2048x1xf32> to vector<2048x256xf32>
    %max3A_309 = vector.broadcast %slice3A_291 : vector<1x256xf32> to vector<2048x256xf32>
    %max3A_310 = arith.maximumf %max3A_308, %max3A_309 : vector<2048x256xf32>
    %sub3A_311 = arith.subf %min3A_307, %max3A_310 : vector<2048x256xf32>
    %jit3A_312 = arith.constant 0.000000e+00 : f32
    %max3A_313 = vector.broadcast %jit3A_312 : f32 to vector<2048x256xf32>
    %max3A_314 = arith.maximumf %max3A_313, %sub3A_311 : vector<2048x256xf32>
    %mul3A_315 = arith.mulf %max3A_304, %max3A_314 : vector<2048x256xf32>
    %add3A_316 = vector.broadcast %mul3A_26 : vector<2048x1xf32> to vector<2048x256xf32>
    %add3A_317 = vector.broadcast %slice3A_294 : vector<1x256xf32> to vector<2048x256xf32>
    %add3A_318 = arith.addf %add3A_316, %add3A_317 : vector<2048x256xf32>
    %sub3A_319 = arith.subf %add3A_318, %mul3A_315 : vector<2048x256xf32>
    %add3A_320 = arith.constant 9.99999971E-10 : f32
    %add3A_321 = vector.broadcast %add3A_320 : f32 to vector<2048x256xf32>
    %add3A_322 = arith.addf %sub3A_319, %add3A_321 : vector<2048x256xf32>
    %div3A_323 = arith.divf %mul3A_315, %add3A_322 : vector<2048x256xf32>
    %iota3A_324 = tpu.iota {dimensions = array<i32: 1>} : vector<2048x256xi32>
    %add3A_325 = arith.constant 768 : i32
    %add3A_326 = vector.broadcast %add3A_325 : i32 to vector<2048x256xi32>
    %add3A_327 = arith.addi %iota3A_324, %add3A_326 : vector<2048x256xi32>
    %gt3A_328 = arith.constant 0.699999988 : f32
    %gt3A_329 = vector.broadcast %gt3A_328 : f32 to vector<2048x256xf32>
    %gt3A_330 = arith.cmpf ogt, %div3A_323, %gt3A_329 : vector<2048x256xf32>
    %lt3A_331 = vector.broadcast %iota3A : vector<2048x1xi32> to vector<2048x256xi32>
    %lt3A_332 = arith.cmpi slt, %add3A_327, %lt3A_331 : vector<2048x256xi32>
    %and3A_333 = arith.andi %gt3A_330, %lt3A_332 : vector<2048x256xi1>
    %jit3A_334 = arith.constant 1.000000e+00 : f32
    %jit3A_335 = arith.constant 0.000000e+00 : f32
    %broadcast_in_dim3A_336 = vector.broadcast %jit3A_334 : f32 to vector<2048x256xf32>
    %broadcast_in_dim3A_337 = vector.broadcast %jit3A_335 : f32 to vector<2048x256xf32>
    %select_n3A_338 = arith.select %and3A_333, %broadcast_in_dim3A_336, %broadcast_in_dim3A_337 : vector<2048x256xi1>, vector<2048x256xf32>
    %slice3A_339 = vector.extract_strided_slice %select_n3A_338 {offsets = [768, 0], sizes = [256, 256], strides = [1, 1]} : vector<2048x256xf32> to vector<256x256xf32>
    %get3A_340 = arith.constant 768 : index
    %get3A_341 = arith.constant 0 : index
    %get3A_342 = vector.load %arg5[%get3A_340, %get3A_341] : memref<2048x1xf32, #tpu.memory_space<vmem>>, vector<256x1xf32>
    %dot_general3A_343 = arith.constant dense<0.000000e+00> : vector<256x1xf32>
    %dot_general3A_344 = tpu.matmul %slice3A_339, %get3A_342, %dot_general3A_343 {dimension_numbers = #tpu.dot_dimension_numbers<[1], [0], [0], [1], [0, 0, 1, 1], [], []>, transpose_lhs_hint = false} : vector<256x256xf32>, vector<256x1xf32>, vector<256x1xf32> -> vector<256x1xf32>
    %gt3A_345 = arith.constant 5.000000e-01 : f32
    %gt3A_346 = vector.broadcast %gt3A_345 : f32 to vector<256x1xf32>
    %gt3A_347 = arith.cmpf ogt, %dot_general3A_344, %gt3A_346 : vector<256x1xf32>
    %jit3A_348 = arith.constant 0.000000e+00 : f32
    %broadcast_in_dim3A_349 = vector.broadcast %jit3A_348 : f32 to vector<256x1xf32>
    %select_n3A_350 = arith.select %gt3A_347, %broadcast_in_dim3A_349, %get3A_342 : vector<256x1xi1>, vector<256x1xf32>
    %while3A_351:2 = scf.while (%while3A_700 = %get3A_342, %while3A_701 = %select_n3A_350) : (vector<256x1xf32>, vector<256x1xf32>) -> (vector<256x1xf32>, vector<256x1xf32>) {
      %ne3A = arith.cmpf one, %while3A_700, %while3A_701 : vector<256x1xf32>
      %reduce_or3A = arith.constant 1.000000e+00 : f32
      %reduce_or3A_702 = arith.constant 0.000000e+00 : f32
      %reduce_or3A_703 = vector.broadcast %reduce_or3A : f32 to vector<256x1xf32>
      %reduce_or3A_704 = vector.broadcast %reduce_or3A_702 : f32 to vector<256x1xf32>
      %reduce_or3A_705 = arith.select %ne3A, %reduce_or3A_703, %reduce_or3A_704 : vector<256x1xi1>, vector<256x1xf32>
      %reduce_or3A_706 = vector.shape_cast %reduce_or3A_705 : vector<256x1xf32> to vector<1x256x1xf32>
      %reduce_or3A_707 = arith.constant dense<0xFF800000> : vector<1xf32>
      %reduce_or3A_708 = vector.multi_reduction <maximumf>, %reduce_or3A_706, %reduce_or3A_707 [1, 2] : vector<1x256x1xf32> to vector<1xf32>
      %reduce_or3A_709 = vector.shape_cast %reduce_or3A_708 : vector<1xf32> to vector<1x1x1xf32>
      %reduce_or3A_710 = vector.extract %reduce_or3A_709[0, 0, 0] : f32 from vector<1x1x1xf32>
      %reduce_or3A_711 = arith.constant 0.000000e+00 : f32
      %reduce_or3A_712 = arith.cmpf ogt, %reduce_or3A_710, %reduce_or3A_711 : f32
      scf.condition(%reduce_or3A_712) %while3A_700, %while3A_701 : vector<256x1xf32>, vector<256x1xf32>
    } do {
    ^bb0(%while3A_700: vector<256x1xf32>, %while3A_701: vector<256x1xf32>):
      %dot_general3A_702 = arith.constant dense<0.000000e+00> : vector<256x1xf32>
      %dot_general3A_703 = tpu.matmul %slice3A_339, %while3A_701, %dot_general3A_702 {dimension_numbers = #tpu.dot_dimension_numbers<[1], [0], [0], [1], [0, 0, 1, 1], [], []>, transpose_lhs_hint = false} : vector<256x256xf32>, vector<256x1xf32>, vector<256x1xf32> -> vector<256x1xf32>
      %gt3A_704 = arith.constant 5.000000e-01 : f32
      %gt3A_705 = vector.broadcast %gt3A_704 : f32 to vector<256x1xf32>
      %gt3A_706 = arith.cmpf ogt, %dot_general3A_703, %gt3A_705 : vector<256x1xf32>
      %jit3A_707 = arith.constant 0.000000e+00 : f32
      %broadcast_in_dim3A_708 = vector.broadcast %jit3A_707 : f32 to vector<256x1xf32>
      %select_n3A_709 = arith.select %gt3A_706, %broadcast_in_dim3A_708, %get3A_342 : vector<256x1xi1>, vector<256x1xf32>
      scf.yield %while3A_701, %select_n3A_709 : vector<256x1xf32>, vector<256x1xf32>
    }
    %swap3A_352 = arith.constant 768 : index
    %swap3A_353 = arith.constant 0 : index
    %swap3A_354 = vector.load %arg5[%swap3A_352, %swap3A_353] : memref<2048x1xf32, #tpu.memory_space<vmem>>, vector<256x1xf32>
    tpu.vector_store %arg5[%swap3A_352, %swap3A_353], %while3A_351#1 {strides = array<i32>} : memref<2048x1xf32, #tpu.memory_space<vmem>>, vector<256x1xf32>,
    %dot_general3A_355 = arith.constant dense<0.000000e+00> : vector<2048x1xf32>
    %dot_general3A_356 = tpu.matmul %select_n3A_338, %while3A_351#1, %dot_general3A_355 {dimension_numbers = #tpu.dot_dimension_numbers<[1], [0], [0], [1], [0, 0, 1, 1], [], []>, transpose_lhs_hint = false} : vector<2048x256xf32>, vector<256x1xf32>, vector<2048x1xf32> -> vector<2048x1xf32>
    %gt3A_357 = arith.constant 5.000000e-01 : f32
    %gt3A_358 = vector.broadcast %gt3A_357 : f32 to vector<2048x1xf32>
    %gt3A_359 = arith.cmpf ogt, %dot_general3A_356, %gt3A_358 : vector<2048x1xf32>
    %ge3A_360 = arith.constant 1024 : i32
    %ge3A_361 = vector.broadcast %ge3A_360 : i32 to vector<2048x1xi32>
    %ge3A_362 = arith.cmpi sge, %iota3A, %ge3A_361 : vector<2048x1xi32>
    %and3A_363 = arith.andi %gt3A_359, %ge3A_362 : vector<2048x1xi1>
    %get3A_364 = arith.constant 0 : index
    %get3A_365 = arith.constant 0 : index
    %get3A_366 = vector.load %arg5[%get3A_364, %get3A_365] : memref<2048x1xf32, #tpu.memory_space<vmem>>, vector<2048x1xf32>
    %jit3A_367 = arith.constant 0.000000e+00 : f32
    %broadcast_in_dim3A_368 = vector.broadcast %jit3A_367 : f32 to vector<2048x1xf32>
    %select_n3A_369 = arith.select %and3A_363, %broadcast_in_dim3A_368, %get3A_366 : vector<2048x1xi1>, vector<2048x1xf32>
    %swap3A_370 = arith.constant 0 : index
    %swap3A_371 = arith.constant 0 : index
    %swap3A_372 = vector.load %arg5[%swap3A_370, %swap3A_371] : memref<2048x1xf32, #tpu.memory_space<vmem>>, vector<2048x1xf32>
    tpu.vector_store %arg5[%swap3A_370, %swap3A_371], %select_n3A_369 {strides = array<i32>} : memref<2048x1xf32, #tpu.memory_space<vmem>>, vector<2048x1xf32>,
    %slice3A_373 = vector.extract_strided_slice %slice3A {offsets = [0, 1024], sizes = [1, 256], strides = [1, 1]} : vector<1x2048xf32> to vector<1x256xf32>
    %slice3A_374 = vector.extract_strided_slice %slice3A_16 {offsets = [0, 1024], sizes = [1, 256], strides = [1, 1]} : vector<1x2048xf32> to vector<1x256xf32>
    %slice3A_375 = vector.extract_strided_slice %slice3A_17 {offsets = [0, 1024], sizes = [1, 256], strides = [1, 1]} : vector<1x2048xf32> to vector<1x256xf32>
    %slice3A_376 = vector.extract_strided_slice %slice3A_18 {offsets = [0, 1024], sizes = [1, 256], strides = [1, 1]} : vector<1x2048xf32> to vector<1x256xf32>
    %slice3A_377 = vector.extract_strided_slice %mul3A {offsets = [0, 1024], sizes = [1, 256], strides = [1, 1]} : vector<1x2048xf32> to vector<1x256xf32>
    %min3A_378 = vector.broadcast %slice3A_22 : vector<2048x1xf32> to vector<2048x256xf32>
    %min3A_379 = vector.broadcast %slice3A_375 : vector<1x256xf32> to vector<2048x256xf32>
    %min3A_380 = arith.minimumf %min3A_378, %min3A_379 : vector<2048x256xf32>
    %max3A_381 = vector.broadcast %slice3A_20 : vector<2048x1xf32> to vector<2048x256xf32>
    %max3A_382 = vector.broadcast %slice3A_373 : vector<1x256xf32> to vector<2048x256xf32>
    %max3A_383 = arith.maximumf %max3A_381, %max3A_382 : vector<2048x256xf32>
    %sub3A_384 = arith.subf %min3A_380, %max3A_383 : vector<2048x256xf32>
    %jit3A_385 = arith.constant 0.000000e+00 : f32
    %max3A_386 = vector.broadcast %jit3A_385 : f32 to vector<2048x256xf32>
    %max3A_387 = arith.maximumf %max3A_386, %sub3A_384 : vector<2048x256xf32>
    %min3A_388 = vector.broadcast %slice3A_23 : vector<2048x1xf32> to vector<2048x256xf32>
    %min3A_389 = vector.broadcast %slice3A_376 : vector<1x256xf32> to vector<2048x256xf32>
    %min3A_390 = arith.minimumf %min3A_388, %min3A_389 : vector<2048x256xf32>
    %max3A_391 = vector.broadcast %slice3A_21 : vector<2048x1xf32> to vector<2048x256xf32>
    %max3A_392 = vector.broadcast %slice3A_374 : vector<1x256xf32> to vector<2048x256xf32>
    %max3A_393 = arith.maximumf %max3A_391, %max3A_392 : vector<2048x256xf32>
    %sub3A_394 = arith.subf %min3A_390, %max3A_393 : vector<2048x256xf32>
    %jit3A_395 = arith.constant 0.000000e+00 : f32
    %max3A_396 = vector.broadcast %jit3A_395 : f32 to vector<2048x256xf32>
    %max3A_397 = arith.maximumf %max3A_396, %sub3A_394 : vector<2048x256xf32>
    %mul3A_398 = arith.mulf %max3A_387, %max3A_397 : vector<2048x256xf32>
    %add3A_399 = vector.broadcast %mul3A_26 : vector<2048x1xf32> to vector<2048x256xf32>
    %add3A_400 = vector.broadcast %slice3A_377 : vector<1x256xf32> to vector<2048x256xf32>
    %add3A_401 = arith.addf %add3A_399, %add3A_400 : vector<2048x256xf32>
    %sub3A_402 = arith.subf %add3A_401, %mul3A_398 : vector<2048x256xf32>
    %add3A_403 = arith.constant 9.99999971E-10 : f32
    %add3A_404 = vector.broadcast %add3A_403 : f32 to vector<2048x256xf32>
    %add3A_405 = arith.addf %sub3A_402, %add3A_404 : vector<2048x256xf32>
    %div3A_406 = arith.divf %mul3A_398, %add3A_405 : vector<2048x256xf32>
    %iota3A_407 = tpu.iota {dimensions = array<i32: 1>} : vector<2048x256xi32>
    %add3A_408 = arith.constant 1024 : i32
    %add3A_409 = vector.broadcast %add3A_408 : i32 to vector<2048x256xi32>
    %add3A_410 = arith.addi %iota3A_407, %add3A_409 : vector<2048x256xi32>
    %gt3A_411 = arith.constant 0.699999988 : f32
    %gt3A_412 = vector.broadcast %gt3A_411 : f32 to vector<2048x256xf32>
    %gt3A_413 = arith.cmpf ogt, %div3A_406, %gt3A_412 : vector<2048x256xf32>
    %lt3A_414 = vector.broadcast %iota3A : vector<2048x1xi32> to vector<2048x256xi32>
    %lt3A_415 = arith.cmpi slt, %add3A_410, %lt3A_414 : vector<2048x256xi32>
    %and3A_416 = arith.andi %gt3A_413, %lt3A_415 : vector<2048x256xi1>
    %jit3A_417 = arith.constant 1.000000e+00 : f32
    %jit3A_418 = arith.constant 0.000000e+00 : f32
    %broadcast_in_dim3A_419 = vector.broadcast %jit3A_417 : f32 to vector<2048x256xf32>
    %broadcast_in_dim3A_420 = vector.broadcast %jit3A_418 : f32 to vector<2048x256xf32>
    %select_n3A_421 = arith.select %and3A_416, %broadcast_in_dim3A_419, %broadcast_in_dim3A_420 : vector<2048x256xi1>, vector<2048x256xf32>
    %slice3A_422 = vector.extract_strided_slice %select_n3A_421 {offsets = [1024, 0], sizes = [256, 256], strides = [1, 1]} : vector<2048x256xf32> to vector<256x256xf32>
    %get3A_423 = arith.constant 1024 : index
    %get3A_424 = arith.constant 0 : index
    %get3A_425 = vector.load %arg5[%get3A_423, %get3A_424] : memref<2048x1xf32, #tpu.memory_space<vmem>>, vector<256x1xf32>
    %dot_general3A_426 = arith.constant dense<0.000000e+00> : vector<256x1xf32>
    %dot_general3A_427 = tpu.matmul %slice3A_422, %get3A_425, %dot_general3A_426 {dimension_numbers = #tpu.dot_dimension_numbers<[1], [0], [0], [1], [0, 0, 1, 1], [], []>, transpose_lhs_hint = false} : vector<256x256xf32>, vector<256x1xf32>, vector<256x1xf32> -> vector<256x1xf32>
    %gt3A_428 = arith.constant 5.000000e-01 : f32
    %gt3A_429 = vector.broadcast %gt3A_428 : f32 to vector<256x1xf32>
    %gt3A_430 = arith.cmpf ogt, %dot_general3A_427, %gt3A_429 : vector<256x1xf32>
    %jit3A_431 = arith.constant 0.000000e+00 : f32
    %broadcast_in_dim3A_432 = vector.broadcast %jit3A_431 : f32 to vector<256x1xf32>
    %select_n3A_433 = arith.select %gt3A_430, %broadcast_in_dim3A_432, %get3A_425 : vector<256x1xi1>, vector<256x1xf32>
    %while3A_434:2 = scf.while (%while3A_700 = %get3A_425, %while3A_701 = %select_n3A_433) : (vector<256x1xf32>, vector<256x1xf32>) -> (vector<256x1xf32>, vector<256x1xf32>) {
      %ne3A = arith.cmpf one, %while3A_700, %while3A_701 : vector<256x1xf32>
      %reduce_or3A = arith.constant 1.000000e+00 : f32
      %reduce_or3A_702 = arith.constant 0.000000e+00 : f32
      %reduce_or3A_703 = vector.broadcast %reduce_or3A : f32 to vector<256x1xf32>
      %reduce_or3A_704 = vector.broadcast %reduce_or3A_702 : f32 to vector<256x1xf32>
      %reduce_or3A_705 = arith.select %ne3A, %reduce_or3A_703, %reduce_or3A_704 : vector<256x1xi1>, vector<256x1xf32>
      %reduce_or3A_706 = vector.shape_cast %reduce_or3A_705 : vector<256x1xf32> to vector<1x256x1xf32>
      %reduce_or3A_707 = arith.constant dense<0xFF800000> : vector<1xf32>
      %reduce_or3A_708 = vector.multi_reduction <maximumf>, %reduce_or3A_706, %reduce_or3A_707 [1, 2] : vector<1x256x1xf32> to vector<1xf32>
      %reduce_or3A_709 = vector.shape_cast %reduce_or3A_708 : vector<1xf32> to vector<1x1x1xf32>
      %reduce_or3A_710 = vector.extract %reduce_or3A_709[0, 0, 0] : f32 from vector<1x1x1xf32>
      %reduce_or3A_711 = arith.constant 0.000000e+00 : f32
      %reduce_or3A_712 = arith.cmpf ogt, %reduce_or3A_710, %reduce_or3A_711 : f32
      scf.condition(%reduce_or3A_712) %while3A_700, %while3A_701 : vector<256x1xf32>, vector<256x1xf32>
    } do {
    ^bb0(%while3A_700: vector<256x1xf32>, %while3A_701: vector<256x1xf32>):
      %dot_general3A_702 = arith.constant dense<0.000000e+00> : vector<256x1xf32>
      %dot_general3A_703 = tpu.matmul %slice3A_422, %while3A_701, %dot_general3A_702 {dimension_numbers = #tpu.dot_dimension_numbers<[1], [0], [0], [1], [0, 0, 1, 1], [], []>, transpose_lhs_hint = false} : vector<256x256xf32>, vector<256x1xf32>, vector<256x1xf32> -> vector<256x1xf32>
      %gt3A_704 = arith.constant 5.000000e-01 : f32
      %gt3A_705 = vector.broadcast %gt3A_704 : f32 to vector<256x1xf32>
      %gt3A_706 = arith.cmpf ogt, %dot_general3A_703, %gt3A_705 : vector<256x1xf32>
      %jit3A_707 = arith.constant 0.000000e+00 : f32
      %broadcast_in_dim3A_708 = vector.broadcast %jit3A_707 : f32 to vector<256x1xf32>
      %select_n3A_709 = arith.select %gt3A_706, %broadcast_in_dim3A_708, %get3A_425 : vector<256x1xi1>, vector<256x1xf32>
      scf.yield %while3A_701, %select_n3A_709 : vector<256x1xf32>, vector<256x1xf32>
    }
    %swap3A_435 = arith.constant 1024 : index
    %swap3A_436 = arith.constant 0 : index
    %swap3A_437 = vector.load %arg5[%swap3A_435, %swap3A_436] : memref<2048x1xf32, #tpu.memory_space<vmem>>, vector<256x1xf32>
    tpu.vector_store %arg5[%swap3A_435, %swap3A_436], %while3A_434#1 {strides = array<i32>} : memref<2048x1xf32, #tpu.memory_space<vmem>>, vector<256x1xf32>,
    %dot_general3A_438 = arith.constant dense<0.000000e+00> : vector<2048x1xf32>
    %dot_general3A_439 = tpu.matmul %select_n3A_421, %while3A_434#1, %dot_general3A_438 {dimension_numbers = #tpu.dot_dimension_numbers<[1], [0], [0], [1], [0, 0, 1, 1], [], []>, transpose_lhs_hint = false} : vector<2048x256xf32>, vector<256x1xf32>, vector<2048x1xf32> -> vector<2048x1xf32>
    %gt3A_440 = arith.constant 5.000000e-01 : f32
    %gt3A_441 = vector.broadcast %gt3A_440 : f32 to vector<2048x1xf32>
    %gt3A_442 = arith.cmpf ogt, %dot_general3A_439, %gt3A_441 : vector<2048x1xf32>
    %ge3A_443 = arith.constant 1280 : i32
    %ge3A_444 = vector.broadcast %ge3A_443 : i32 to vector<2048x1xi32>
    %ge3A_445 = arith.cmpi sge, %iota3A, %ge3A_444 : vector<2048x1xi32>
    %and3A_446 = arith.andi %gt3A_442, %ge3A_445 : vector<2048x1xi1>
    %get3A_447 = arith.constant 0 : index
    %get3A_448 = arith.constant 0 : index
    %get3A_449 = vector.load %arg5[%get3A_447, %get3A_448] : memref<2048x1xf32, #tpu.memory_space<vmem>>, vector<2048x1xf32>
    %jit3A_450 = arith.constant 0.000000e+00 : f32
    %broadcast_in_dim3A_451 = vector.broadcast %jit3A_450 : f32 to vector<2048x1xf32>
    %select_n3A_452 = arith.select %and3A_446, %broadcast_in_dim3A_451, %get3A_449 : vector<2048x1xi1>, vector<2048x1xf32>
    %swap3A_453 = arith.constant 0 : index
    %swap3A_454 = arith.constant 0 : index
    %swap3A_455 = vector.load %arg5[%swap3A_453, %swap3A_454] : memref<2048x1xf32, #tpu.memory_space<vmem>>, vector<2048x1xf32>
    tpu.vector_store %arg5[%swap3A_453, %swap3A_454], %select_n3A_452 {strides = array<i32>} : memref<2048x1xf32, #tpu.memory_space<vmem>>, vector<2048x1xf32>,
    %slice3A_456 = vector.extract_strided_slice %slice3A {offsets = [0, 1280], sizes = [1, 256], strides = [1, 1]} : vector<1x2048xf32> to vector<1x256xf32>
    %slice3A_457 = vector.extract_strided_slice %slice3A_16 {offsets = [0, 1280], sizes = [1, 256], strides = [1, 1]} : vector<1x2048xf32> to vector<1x256xf32>
    %slice3A_458 = vector.extract_strided_slice %slice3A_17 {offsets = [0, 1280], sizes = [1, 256], strides = [1, 1]} : vector<1x2048xf32> to vector<1x256xf32>
    %slice3A_459 = vector.extract_strided_slice %slice3A_18 {offsets = [0, 1280], sizes = [1, 256], strides = [1, 1]} : vector<1x2048xf32> to vector<1x256xf32>
    %slice3A_460 = vector.extract_strided_slice %mul3A {offsets = [0, 1280], sizes = [1, 256], strides = [1, 1]} : vector<1x2048xf32> to vector<1x256xf32>
    %min3A_461 = vector.broadcast %slice3A_22 : vector<2048x1xf32> to vector<2048x256xf32>
    %min3A_462 = vector.broadcast %slice3A_458 : vector<1x256xf32> to vector<2048x256xf32>
    %min3A_463 = arith.minimumf %min3A_461, %min3A_462 : vector<2048x256xf32>
    %max3A_464 = vector.broadcast %slice3A_20 : vector<2048x1xf32> to vector<2048x256xf32>
    %max3A_465 = vector.broadcast %slice3A_456 : vector<1x256xf32> to vector<2048x256xf32>
    %max3A_466 = arith.maximumf %max3A_464, %max3A_465 : vector<2048x256xf32>
    %sub3A_467 = arith.subf %min3A_463, %max3A_466 : vector<2048x256xf32>
    %jit3A_468 = arith.constant 0.000000e+00 : f32
    %max3A_469 = vector.broadcast %jit3A_468 : f32 to vector<2048x256xf32>
    %max3A_470 = arith.maximumf %max3A_469, %sub3A_467 : vector<2048x256xf32>
    %min3A_471 = vector.broadcast %slice3A_23 : vector<2048x1xf32> to vector<2048x256xf32>
    %min3A_472 = vector.broadcast %slice3A_459 : vector<1x256xf32> to vector<2048x256xf32>
    %min3A_473 = arith.minimumf %min3A_471, %min3A_472 : vector<2048x256xf32>
    %max3A_474 = vector.broadcast %slice3A_21 : vector<2048x1xf32> to vector<2048x256xf32>
    %max3A_475 = vector.broadcast %slice3A_457 : vector<1x256xf32> to vector<2048x256xf32>
    %max3A_476 = arith.maximumf %max3A_474, %max3A_475 : vector<2048x256xf32>
    %sub3A_477 = arith.subf %min3A_473, %max3A_476 : vector<2048x256xf32>
    %jit3A_478 = arith.constant 0.000000e+00 : f32
    %max3A_479 = vector.broadcast %jit3A_478 : f32 to vector<2048x256xf32>
    %max3A_480 = arith.maximumf %max3A_479, %sub3A_477 : vector<2048x256xf32>
    %mul3A_481 = arith.mulf %max3A_470, %max3A_480 : vector<2048x256xf32>
    %add3A_482 = vector.broadcast %mul3A_26 : vector<2048x1xf32> to vector<2048x256xf32>
    %add3A_483 = vector.broadcast %slice3A_460 : vector<1x256xf32> to vector<2048x256xf32>
    %add3A_484 = arith.addf %add3A_482, %add3A_483 : vector<2048x256xf32>
    %sub3A_485 = arith.subf %add3A_484, %mul3A_481 : vector<2048x256xf32>
    %add3A_486 = arith.constant 9.99999971E-10 : f32
    %add3A_487 = vector.broadcast %add3A_486 : f32 to vector<2048x256xf32>
    %add3A_488 = arith.addf %sub3A_485, %add3A_487 : vector<2048x256xf32>
    %div3A_489 = arith.divf %mul3A_481, %add3A_488 : vector<2048x256xf32>
    %iota3A_490 = tpu.iota {dimensions = array<i32: 1>} : vector<2048x256xi32>
    %add3A_491 = arith.constant 1280 : i32
    %add3A_492 = vector.broadcast %add3A_491 : i32 to vector<2048x256xi32>
    %add3A_493 = arith.addi %iota3A_490, %add3A_492 : vector<2048x256xi32>
    %gt3A_494 = arith.constant 0.699999988 : f32
    %gt3A_495 = vector.broadcast %gt3A_494 : f32 to vector<2048x256xf32>
    %gt3A_496 = arith.cmpf ogt, %div3A_489, %gt3A_495 : vector<2048x256xf32>
    %lt3A_497 = vector.broadcast %iota3A : vector<2048x1xi32> to vector<2048x256xi32>
    %lt3A_498 = arith.cmpi slt, %add3A_493, %lt3A_497 : vector<2048x256xi32>
    %and3A_499 = arith.andi %gt3A_496, %lt3A_498 : vector<2048x256xi1>
    %jit3A_500 = arith.constant 1.000000e+00 : f32
    %jit3A_501 = arith.constant 0.000000e+00 : f32
    %broadcast_in_dim3A_502 = vector.broadcast %jit3A_500 : f32 to vector<2048x256xf32>
    %broadcast_in_dim3A_503 = vector.broadcast %jit3A_501 : f32 to vector<2048x256xf32>
    %select_n3A_504 = arith.select %and3A_499, %broadcast_in_dim3A_502, %broadcast_in_dim3A_503 : vector<2048x256xi1>, vector<2048x256xf32>
    %slice3A_505 = vector.extract_strided_slice %select_n3A_504 {offsets = [1280, 0], sizes = [256, 256], strides = [1, 1]} : vector<2048x256xf32> to vector<256x256xf32>
    %get3A_506 = arith.constant 1280 : index
    %get3A_507 = arith.constant 0 : index
    %get3A_508 = vector.load %arg5[%get3A_506, %get3A_507] : memref<2048x1xf32, #tpu.memory_space<vmem>>, vector<256x1xf32>
    %dot_general3A_509 = arith.constant dense<0.000000e+00> : vector<256x1xf32>
    %dot_general3A_510 = tpu.matmul %slice3A_505, %get3A_508, %dot_general3A_509 {dimension_numbers = #tpu.dot_dimension_numbers<[1], [0], [0], [1], [0, 0, 1, 1], [], []>, transpose_lhs_hint = false} : vector<256x256xf32>, vector<256x1xf32>, vector<256x1xf32> -> vector<256x1xf32>
    %gt3A_511 = arith.constant 5.000000e-01 : f32
    %gt3A_512 = vector.broadcast %gt3A_511 : f32 to vector<256x1xf32>
    %gt3A_513 = arith.cmpf ogt, %dot_general3A_510, %gt3A_512 : vector<256x1xf32>
    %jit3A_514 = arith.constant 0.000000e+00 : f32
    %broadcast_in_dim3A_515 = vector.broadcast %jit3A_514 : f32 to vector<256x1xf32>
    %select_n3A_516 = arith.select %gt3A_513, %broadcast_in_dim3A_515, %get3A_508 : vector<256x1xi1>, vector<256x1xf32>
    %while3A_517:2 = scf.while (%while3A_700 = %get3A_508, %while3A_701 = %select_n3A_516) : (vector<256x1xf32>, vector<256x1xf32>) -> (vector<256x1xf32>, vector<256x1xf32>) {
      %ne3A = arith.cmpf one, %while3A_700, %while3A_701 : vector<256x1xf32>
      %reduce_or3A = arith.constant 1.000000e+00 : f32
      %reduce_or3A_702 = arith.constant 0.000000e+00 : f32
      %reduce_or3A_703 = vector.broadcast %reduce_or3A : f32 to vector<256x1xf32>
      %reduce_or3A_704 = vector.broadcast %reduce_or3A_702 : f32 to vector<256x1xf32>
      %reduce_or3A_705 = arith.select %ne3A, %reduce_or3A_703, %reduce_or3A_704 : vector<256x1xi1>, vector<256x1xf32>
      %reduce_or3A_706 = vector.shape_cast %reduce_or3A_705 : vector<256x1xf32> to vector<1x256x1xf32>
      %reduce_or3A_707 = arith.constant dense<0xFF800000> : vector<1xf32>
      %reduce_or3A_708 = vector.multi_reduction <maximumf>, %reduce_or3A_706, %reduce_or3A_707 [1, 2] : vector<1x256x1xf32> to vector<1xf32>
      %reduce_or3A_709 = vector.shape_cast %reduce_or3A_708 : vector<1xf32> to vector<1x1x1xf32>
      %reduce_or3A_710 = vector.extract %reduce_or3A_709[0, 0, 0] : f32 from vector<1x1x1xf32>
      %reduce_or3A_711 = arith.constant 0.000000e+00 : f32
      %reduce_or3A_712 = arith.cmpf ogt, %reduce_or3A_710, %reduce_or3A_711 : f32
      scf.condition(%reduce_or3A_712) %while3A_700, %while3A_701 : vector<256x1xf32>, vector<256x1xf32>
    } do {
    ^bb0(%while3A_700: vector<256x1xf32>, %while3A_701: vector<256x1xf32>):
      %dot_general3A_702 = arith.constant dense<0.000000e+00> : vector<256x1xf32>
      %dot_general3A_703 = tpu.matmul %slice3A_505, %while3A_701, %dot_general3A_702 {dimension_numbers = #tpu.dot_dimension_numbers<[1], [0], [0], [1], [0, 0, 1, 1], [], []>, transpose_lhs_hint = false} : vector<256x256xf32>, vector<256x1xf32>, vector<256x1xf32> -> vector<256x1xf32>
      %gt3A_704 = arith.constant 5.000000e-01 : f32
      %gt3A_705 = vector.broadcast %gt3A_704 : f32 to vector<256x1xf32>
      %gt3A_706 = arith.cmpf ogt, %dot_general3A_703, %gt3A_705 : vector<256x1xf32>
      %jit3A_707 = arith.constant 0.000000e+00 : f32
      %broadcast_in_dim3A_708 = vector.broadcast %jit3A_707 : f32 to vector<256x1xf32>
      %select_n3A_709 = arith.select %gt3A_706, %broadcast_in_dim3A_708, %get3A_508 : vector<256x1xi1>, vector<256x1xf32>
      scf.yield %while3A_701, %select_n3A_709 : vector<256x1xf32>, vector<256x1xf32>
    }
    %swap3A_518 = arith.constant 1280 : index
    %swap3A_519 = arith.constant 0 : index
    %swap3A_520 = vector.load %arg5[%swap3A_518, %swap3A_519] : memref<2048x1xf32, #tpu.memory_space<vmem>>, vector<256x1xf32>
    tpu.vector_store %arg5[%swap3A_518, %swap3A_519], %while3A_517#1 {strides = array<i32>} : memref<2048x1xf32, #tpu.memory_space<vmem>>, vector<256x1xf32>,
    %dot_general3A_521 = arith.constant dense<0.000000e+00> : vector<2048x1xf32>
    %dot_general3A_522 = tpu.matmul %select_n3A_504, %while3A_517#1, %dot_general3A_521 {dimension_numbers = #tpu.dot_dimension_numbers<[1], [0], [0], [1], [0, 0, 1, 1], [], []>, transpose_lhs_hint = false} : vector<2048x256xf32>, vector<256x1xf32>, vector<2048x1xf32> -> vector<2048x1xf32>
    %gt3A_523 = arith.constant 5.000000e-01 : f32
    %gt3A_524 = vector.broadcast %gt3A_523 : f32 to vector<2048x1xf32>
    %gt3A_525 = arith.cmpf ogt, %dot_general3A_522, %gt3A_524 : vector<2048x1xf32>
    %ge3A_526 = arith.constant 1536 : i32
    %ge3A_527 = vector.broadcast %ge3A_526 : i32 to vector<2048x1xi32>
    %ge3A_528 = arith.cmpi sge, %iota3A, %ge3A_527 : vector<2048x1xi32>
    %and3A_529 = arith.andi %gt3A_525, %ge3A_528 : vector<2048x1xi1>
    %get3A_530 = arith.constant 0 : index
    %get3A_531 = arith.constant 0 : index
    %get3A_532 = vector.load %arg5[%get3A_530, %get3A_531] : memref<2048x1xf32, #tpu.memory_space<vmem>>, vector<2048x1xf32>
    %jit3A_533 = arith.constant 0.000000e+00 : f32
    %broadcast_in_dim3A_534 = vector.broadcast %jit3A_533 : f32 to vector<2048x1xf32>
    %select_n3A_535 = arith.select %and3A_529, %broadcast_in_dim3A_534, %get3A_532 : vector<2048x1xi1>, vector<2048x1xf32>
    %swap3A_536 = arith.constant 0 : index
    %swap3A_537 = arith.constant 0 : index
    %swap3A_538 = vector.load %arg5[%swap3A_536, %swap3A_537] : memref<2048x1xf32, #tpu.memory_space<vmem>>, vector<2048x1xf32>
    tpu.vector_store %arg5[%swap3A_536, %swap3A_537], %select_n3A_535 {strides = array<i32>} : memref<2048x1xf32, #tpu.memory_space<vmem>>, vector<2048x1xf32>,
    %slice3A_539 = vector.extract_strided_slice %slice3A {offsets = [0, 1536], sizes = [1, 256], strides = [1, 1]} : vector<1x2048xf32> to vector<1x256xf32>
    %slice3A_540 = vector.extract_strided_slice %slice3A_16 {offsets = [0, 1536], sizes = [1, 256], strides = [1, 1]} : vector<1x2048xf32> to vector<1x256xf32>
    %slice3A_541 = vector.extract_strided_slice %slice3A_17 {offsets = [0, 1536], sizes = [1, 256], strides = [1, 1]} : vector<1x2048xf32> to vector<1x256xf32>
    %slice3A_542 = vector.extract_strided_slice %slice3A_18 {offsets = [0, 1536], sizes = [1, 256], strides = [1, 1]} : vector<1x2048xf32> to vector<1x256xf32>
    %slice3A_543 = vector.extract_strided_slice %mul3A {offsets = [0, 1536], sizes = [1, 256], strides = [1, 1]} : vector<1x2048xf32> to vector<1x256xf32>
    %min3A_544 = vector.broadcast %slice3A_22 : vector<2048x1xf32> to vector<2048x256xf32>
    %min3A_545 = vector.broadcast %slice3A_541 : vector<1x256xf32> to vector<2048x256xf32>
    %min3A_546 = arith.minimumf %min3A_544, %min3A_545 : vector<2048x256xf32>
    %max3A_547 = vector.broadcast %slice3A_20 : vector<2048x1xf32> to vector<2048x256xf32>
    %max3A_548 = vector.broadcast %slice3A_539 : vector<1x256xf32> to vector<2048x256xf32>
    %max3A_549 = arith.maximumf %max3A_547, %max3A_548 : vector<2048x256xf32>
    %sub3A_550 = arith.subf %min3A_546, %max3A_549 : vector<2048x256xf32>
    %jit3A_551 = arith.constant 0.000000e+00 : f32
    %max3A_552 = vector.broadcast %jit3A_551 : f32 to vector<2048x256xf32>
    %max3A_553 = arith.maximumf %max3A_552, %sub3A_550 : vector<2048x256xf32>
    %min3A_554 = vector.broadcast %slice3A_23 : vector<2048x1xf32> to vector<2048x256xf32>
    %min3A_555 = vector.broadcast %slice3A_542 : vector<1x256xf32> to vector<2048x256xf32>
    %min3A_556 = arith.minimumf %min3A_554, %min3A_555 : vector<2048x256xf32>
    %max3A_557 = vector.broadcast %slice3A_21 : vector<2048x1xf32> to vector<2048x256xf32>
    %max3A_558 = vector.broadcast %slice3A_540 : vector<1x256xf32> to vector<2048x256xf32>
    %max3A_559 = arith.maximumf %max3A_557, %max3A_558 : vector<2048x256xf32>
    %sub3A_560 = arith.subf %min3A_556, %max3A_559 : vector<2048x256xf32>
    %jit3A_561 = arith.constant 0.000000e+00 : f32
    %max3A_562 = vector.broadcast %jit3A_561 : f32 to vector<2048x256xf32>
    %max3A_563 = arith.maximumf %max3A_562, %sub3A_560 : vector<2048x256xf32>
    %mul3A_564 = arith.mulf %max3A_553, %max3A_563 : vector<2048x256xf32>
    %add3A_565 = vector.broadcast %mul3A_26 : vector<2048x1xf32> to vector<2048x256xf32>
    %add3A_566 = vector.broadcast %slice3A_543 : vector<1x256xf32> to vector<2048x256xf32>
    %add3A_567 = arith.addf %add3A_565, %add3A_566 : vector<2048x256xf32>
    %sub3A_568 = arith.subf %add3A_567, %mul3A_564 : vector<2048x256xf32>
    %add3A_569 = arith.constant 9.99999971E-10 : f32
    %add3A_570 = vector.broadcast %add3A_569 : f32 to vector<2048x256xf32>
    %add3A_571 = arith.addf %sub3A_568, %add3A_570 : vector<2048x256xf32>
    %div3A_572 = arith.divf %mul3A_564, %add3A_571 : vector<2048x256xf32>
    %iota3A_573 = tpu.iota {dimensions = array<i32: 1>} : vector<2048x256xi32>
    %add3A_574 = arith.constant 1536 : i32
    %add3A_575 = vector.broadcast %add3A_574 : i32 to vector<2048x256xi32>
    %add3A_576 = arith.addi %iota3A_573, %add3A_575 : vector<2048x256xi32>
    %gt3A_577 = arith.constant 0.699999988 : f32
    %gt3A_578 = vector.broadcast %gt3A_577 : f32 to vector<2048x256xf32>
    %gt3A_579 = arith.cmpf ogt, %div3A_572, %gt3A_578 : vector<2048x256xf32>
    %lt3A_580 = vector.broadcast %iota3A : vector<2048x1xi32> to vector<2048x256xi32>
    %lt3A_581 = arith.cmpi slt, %add3A_576, %lt3A_580 : vector<2048x256xi32>
    %and3A_582 = arith.andi %gt3A_579, %lt3A_581 : vector<2048x256xi1>
    %jit3A_583 = arith.constant 1.000000e+00 : f32
    %jit3A_584 = arith.constant 0.000000e+00 : f32
    %broadcast_in_dim3A_585 = vector.broadcast %jit3A_583 : f32 to vector<2048x256xf32>
    %broadcast_in_dim3A_586 = vector.broadcast %jit3A_584 : f32 to vector<2048x256xf32>
    %select_n3A_587 = arith.select %and3A_582, %broadcast_in_dim3A_585, %broadcast_in_dim3A_586 : vector<2048x256xi1>, vector<2048x256xf32>
    %slice3A_588 = vector.extract_strided_slice %select_n3A_587 {offsets = [1536, 0], sizes = [256, 256], strides = [1, 1]} : vector<2048x256xf32> to vector<256x256xf32>
    %get3A_589 = arith.constant 1536 : index
    %get3A_590 = arith.constant 0 : index
    %get3A_591 = vector.load %arg5[%get3A_589, %get3A_590] : memref<2048x1xf32, #tpu.memory_space<vmem>>, vector<256x1xf32>
    %dot_general3A_592 = arith.constant dense<0.000000e+00> : vector<256x1xf32>
    %dot_general3A_593 = tpu.matmul %slice3A_588, %get3A_591, %dot_general3A_592 {dimension_numbers = #tpu.dot_dimension_numbers<[1], [0], [0], [1], [0, 0, 1, 1], [], []>, transpose_lhs_hint = false} : vector<256x256xf32>, vector<256x1xf32>, vector<256x1xf32> -> vector<256x1xf32>
    %gt3A_594 = arith.constant 5.000000e-01 : f32
    %gt3A_595 = vector.broadcast %gt3A_594 : f32 to vector<256x1xf32>
    %gt3A_596 = arith.cmpf ogt, %dot_general3A_593, %gt3A_595 : vector<256x1xf32>
    %jit3A_597 = arith.constant 0.000000e+00 : f32
    %broadcast_in_dim3A_598 = vector.broadcast %jit3A_597 : f32 to vector<256x1xf32>
    %select_n3A_599 = arith.select %gt3A_596, %broadcast_in_dim3A_598, %get3A_591 : vector<256x1xi1>, vector<256x1xf32>
    %while3A_600:2 = scf.while (%while3A_700 = %get3A_591, %while3A_701 = %select_n3A_599) : (vector<256x1xf32>, vector<256x1xf32>) -> (vector<256x1xf32>, vector<256x1xf32>) {
      %ne3A = arith.cmpf one, %while3A_700, %while3A_701 : vector<256x1xf32>
      %reduce_or3A = arith.constant 1.000000e+00 : f32
      %reduce_or3A_702 = arith.constant 0.000000e+00 : f32
      %reduce_or3A_703 = vector.broadcast %reduce_or3A : f32 to vector<256x1xf32>
      %reduce_or3A_704 = vector.broadcast %reduce_or3A_702 : f32 to vector<256x1xf32>
      %reduce_or3A_705 = arith.select %ne3A, %reduce_or3A_703, %reduce_or3A_704 : vector<256x1xi1>, vector<256x1xf32>
      %reduce_or3A_706 = vector.shape_cast %reduce_or3A_705 : vector<256x1xf32> to vector<1x256x1xf32>
      %reduce_or3A_707 = arith.constant dense<0xFF800000> : vector<1xf32>
      %reduce_or3A_708 = vector.multi_reduction <maximumf>, %reduce_or3A_706, %reduce_or3A_707 [1, 2] : vector<1x256x1xf32> to vector<1xf32>
      %reduce_or3A_709 = vector.shape_cast %reduce_or3A_708 : vector<1xf32> to vector<1x1x1xf32>
      %reduce_or3A_710 = vector.extract %reduce_or3A_709[0, 0, 0] : f32 from vector<1x1x1xf32>
      %reduce_or3A_711 = arith.constant 0.000000e+00 : f32
      %reduce_or3A_712 = arith.cmpf ogt, %reduce_or3A_710, %reduce_or3A_711 : f32
      scf.condition(%reduce_or3A_712) %while3A_700, %while3A_701 : vector<256x1xf32>, vector<256x1xf32>
    } do {
    ^bb0(%while3A_700: vector<256x1xf32>, %while3A_701: vector<256x1xf32>):
      %dot_general3A_702 = arith.constant dense<0.000000e+00> : vector<256x1xf32>
      %dot_general3A_703 = tpu.matmul %slice3A_588, %while3A_701, %dot_general3A_702 {dimension_numbers = #tpu.dot_dimension_numbers<[1], [0], [0], [1], [0, 0, 1, 1], [], []>, transpose_lhs_hint = false} : vector<256x256xf32>, vector<256x1xf32>, vector<256x1xf32> -> vector<256x1xf32>
      %gt3A_704 = arith.constant 5.000000e-01 : f32
      %gt3A_705 = vector.broadcast %gt3A_704 : f32 to vector<256x1xf32>
      %gt3A_706 = arith.cmpf ogt, %dot_general3A_703, %gt3A_705 : vector<256x1xf32>
      %jit3A_707 = arith.constant 0.000000e+00 : f32
      %broadcast_in_dim3A_708 = vector.broadcast %jit3A_707 : f32 to vector<256x1xf32>
      %select_n3A_709 = arith.select %gt3A_706, %broadcast_in_dim3A_708, %get3A_591 : vector<256x1xi1>, vector<256x1xf32>
      scf.yield %while3A_701, %select_n3A_709 : vector<256x1xf32>, vector<256x1xf32>
    }
    %swap3A_601 = arith.constant 1536 : index
    %swap3A_602 = arith.constant 0 : index
    %swap3A_603 = vector.load %arg5[%swap3A_601, %swap3A_602] : memref<2048x1xf32, #tpu.memory_space<vmem>>, vector<256x1xf32>
    tpu.vector_store %arg5[%swap3A_601, %swap3A_602], %while3A_600#1 {strides = array<i32>} : memref<2048x1xf32, #tpu.memory_space<vmem>>, vector<256x1xf32>,
    %dot_general3A_604 = arith.constant dense<0.000000e+00> : vector<2048x1xf32>
    %dot_general3A_605 = tpu.matmul %select_n3A_587, %while3A_600#1, %dot_general3A_604 {dimension_numbers = #tpu.dot_dimension_numbers<[1], [0], [0], [1], [0, 0, 1, 1], [], []>, transpose_lhs_hint = false} : vector<2048x256xf32>, vector<256x1xf32>, vector<2048x1xf32> -> vector<2048x1xf32>
    %gt3A_606 = arith.constant 5.000000e-01 : f32
    %gt3A_607 = vector.broadcast %gt3A_606 : f32 to vector<2048x1xf32>
    %gt3A_608 = arith.cmpf ogt, %dot_general3A_605, %gt3A_607 : vector<2048x1xf32>
    %ge3A_609 = arith.constant 1792 : i32
    %ge3A_610 = vector.broadcast %ge3A_609 : i32 to vector<2048x1xi32>
    %ge3A_611 = arith.cmpi sge, %iota3A, %ge3A_610 : vector<2048x1xi32>
    %and3A_612 = arith.andi %gt3A_608, %ge3A_611 : vector<2048x1xi1>
    %get3A_613 = arith.constant 0 : index
    %get3A_614 = arith.constant 0 : index
    %get3A_615 = vector.load %arg5[%get3A_613, %get3A_614] : memref<2048x1xf32, #tpu.memory_space<vmem>>, vector<2048x1xf32>
    %jit3A_616 = arith.constant 0.000000e+00 : f32
    %broadcast_in_dim3A_617 = vector.broadcast %jit3A_616 : f32 to vector<2048x1xf32>
    %select_n3A_618 = arith.select %and3A_612, %broadcast_in_dim3A_617, %get3A_615 : vector<2048x1xi1>, vector<2048x1xf32>
    %swap3A_619 = arith.constant 0 : index
    %swap3A_620 = arith.constant 0 : index
    %swap3A_621 = vector.load %arg5[%swap3A_619, %swap3A_620] : memref<2048x1xf32, #tpu.memory_space<vmem>>, vector<2048x1xf32>
    tpu.vector_store %arg5[%swap3A_619, %swap3A_620], %select_n3A_618 {strides = array<i32>} : memref<2048x1xf32, #tpu.memory_space<vmem>>, vector<2048x1xf32>,
    %slice3A_622 = vector.extract_strided_slice %slice3A {offsets = [0, 1792], sizes = [1, 256], strides = [1, 1]} : vector<1x2048xf32> to vector<1x256xf32>
    %slice3A_623 = vector.extract_strided_slice %slice3A_16 {offsets = [0, 1792], sizes = [1, 256], strides = [1, 1]} : vector<1x2048xf32> to vector<1x256xf32>
    %slice3A_624 = vector.extract_strided_slice %slice3A_17 {offsets = [0, 1792], sizes = [1, 256], strides = [1, 1]} : vector<1x2048xf32> to vector<1x256xf32>
    %slice3A_625 = vector.extract_strided_slice %slice3A_18 {offsets = [0, 1792], sizes = [1, 256], strides = [1, 1]} : vector<1x2048xf32> to vector<1x256xf32>
    %slice3A_626 = vector.extract_strided_slice %mul3A {offsets = [0, 1792], sizes = [1, 256], strides = [1, 1]} : vector<1x2048xf32> to vector<1x256xf32>
    %min3A_627 = vector.broadcast %slice3A_22 : vector<2048x1xf32> to vector<2048x256xf32>
    %min3A_628 = vector.broadcast %slice3A_624 : vector<1x256xf32> to vector<2048x256xf32>
    %min3A_629 = arith.minimumf %min3A_627, %min3A_628 : vector<2048x256xf32>
    %max3A_630 = vector.broadcast %slice3A_20 : vector<2048x1xf32> to vector<2048x256xf32>
    %max3A_631 = vector.broadcast %slice3A_622 : vector<1x256xf32> to vector<2048x256xf32>
    %max3A_632 = arith.maximumf %max3A_630, %max3A_631 : vector<2048x256xf32>
    %sub3A_633 = arith.subf %min3A_629, %max3A_632 : vector<2048x256xf32>
    %jit3A_634 = arith.constant 0.000000e+00 : f32
    %max3A_635 = vector.broadcast %jit3A_634 : f32 to vector<2048x256xf32>
    %max3A_636 = arith.maximumf %max3A_635, %sub3A_633 : vector<2048x256xf32>
    %min3A_637 = vector.broadcast %slice3A_23 : vector<2048x1xf32> to vector<2048x256xf32>
    %min3A_638 = vector.broadcast %slice3A_625 : vector<1x256xf32> to vector<2048x256xf32>
    %min3A_639 = arith.minimumf %min3A_637, %min3A_638 : vector<2048x256xf32>
    %max3A_640 = vector.broadcast %slice3A_21 : vector<2048x1xf32> to vector<2048x256xf32>
    %max3A_641 = vector.broadcast %slice3A_623 : vector<1x256xf32> to vector<2048x256xf32>
    %max3A_642 = arith.maximumf %max3A_640, %max3A_641 : vector<2048x256xf32>
    %sub3A_643 = arith.subf %min3A_639, %max3A_642 : vector<2048x256xf32>
    %jit3A_644 = arith.constant 0.000000e+00 : f32
    %max3A_645 = vector.broadcast %jit3A_644 : f32 to vector<2048x256xf32>
    %max3A_646 = arith.maximumf %max3A_645, %sub3A_643 : vector<2048x256xf32>
    %mul3A_647 = arith.mulf %max3A_636, %max3A_646 : vector<2048x256xf32>
    %add3A_648 = vector.broadcast %mul3A_26 : vector<2048x1xf32> to vector<2048x256xf32>
    %add3A_649 = vector.broadcast %slice3A_626 : vector<1x256xf32> to vector<2048x256xf32>
    %add3A_650 = arith.addf %add3A_648, %add3A_649 : vector<2048x256xf32>
    %sub3A_651 = arith.subf %add3A_650, %mul3A_647 : vector<2048x256xf32>
    %add3A_652 = arith.constant 9.99999971E-10 : f32
    %add3A_653 = vector.broadcast %add3A_652 : f32 to vector<2048x256xf32>
    %add3A_654 = arith.addf %sub3A_651, %add3A_653 : vector<2048x256xf32>
    %div3A_655 = arith.divf %mul3A_647, %add3A_654 : vector<2048x256xf32>
    %iota3A_656 = tpu.iota {dimensions = array<i32: 1>} : vector<2048x256xi32>
    %add3A_657 = arith.constant 1792 : i32
    %add3A_658 = vector.broadcast %add3A_657 : i32 to vector<2048x256xi32>
    %add3A_659 = arith.addi %iota3A_656, %add3A_658 : vector<2048x256xi32>
    %gt3A_660 = arith.constant 0.699999988 : f32
    %gt3A_661 = vector.broadcast %gt3A_660 : f32 to vector<2048x256xf32>
    %gt3A_662 = arith.cmpf ogt, %div3A_655, %gt3A_661 : vector<2048x256xf32>
    %lt3A_663 = vector.broadcast %iota3A : vector<2048x1xi32> to vector<2048x256xi32>
    %lt3A_664 = arith.cmpi slt, %add3A_659, %lt3A_663 : vector<2048x256xi32>
    %and3A_665 = arith.andi %gt3A_662, %lt3A_664 : vector<2048x256xi1>
    %jit3A_666 = arith.constant 1.000000e+00 : f32
    %jit3A_667 = arith.constant 0.000000e+00 : f32
    %broadcast_in_dim3A_668 = vector.broadcast %jit3A_666 : f32 to vector<2048x256xf32>
    %broadcast_in_dim3A_669 = vector.broadcast %jit3A_667 : f32 to vector<2048x256xf32>
    %select_n3A_670 = arith.select %and3A_665, %broadcast_in_dim3A_668, %broadcast_in_dim3A_669 : vector<2048x256xi1>, vector<2048x256xf32>
    %slice3A_671 = vector.extract_strided_slice %select_n3A_670 {offsets = [1792, 0], sizes = [256, 256], strides = [1, 1]} : vector<2048x256xf32> to vector<256x256xf32>
    %get3A_672 = arith.constant 1792 : index
    %get3A_673 = arith.constant 0 : index
    %get3A_674 = vector.load %arg5[%get3A_672, %get3A_673] : memref<2048x1xf32, #tpu.memory_space<vmem>>, vector<256x1xf32>
    %dot_general3A_675 = arith.constant dense<0.000000e+00> : vector<256x1xf32>
    %dot_general3A_676 = tpu.matmul %slice3A_671, %get3A_674, %dot_general3A_675 {dimension_numbers = #tpu.dot_dimension_numbers<[1], [0], [0], [1], [0, 0, 1, 1], [], []>, transpose_lhs_hint = false} : vector<256x256xf32>, vector<256x1xf32>, vector<256x1xf32> -> vector<256x1xf32>
    %gt3A_677 = arith.constant 5.000000e-01 : f32
    %gt3A_678 = vector.broadcast %gt3A_677 : f32 to vector<256x1xf32>
    %gt3A_679 = arith.cmpf ogt, %dot_general3A_676, %gt3A_678 : vector<256x1xf32>
    %jit3A_680 = arith.constant 0.000000e+00 : f32
    %broadcast_in_dim3A_681 = vector.broadcast %jit3A_680 : f32 to vector<256x1xf32>
    %select_n3A_682 = arith.select %gt3A_679, %broadcast_in_dim3A_681, %get3A_674 : vector<256x1xi1>, vector<256x1xf32>
    %while3A_683:2 = scf.while (%while3A_700 = %get3A_674, %while3A_701 = %select_n3A_682) : (vector<256x1xf32>, vector<256x1xf32>) -> (vector<256x1xf32>, vector<256x1xf32>) {
      %ne3A = arith.cmpf one, %while3A_700, %while3A_701 : vector<256x1xf32>
      %reduce_or3A = arith.constant 1.000000e+00 : f32
      %reduce_or3A_702 = arith.constant 0.000000e+00 : f32
      %reduce_or3A_703 = vector.broadcast %reduce_or3A : f32 to vector<256x1xf32>
      %reduce_or3A_704 = vector.broadcast %reduce_or3A_702 : f32 to vector<256x1xf32>
      %reduce_or3A_705 = arith.select %ne3A, %reduce_or3A_703, %reduce_or3A_704 : vector<256x1xi1>, vector<256x1xf32>
      %reduce_or3A_706 = vector.shape_cast %reduce_or3A_705 : vector<256x1xf32> to vector<1x256x1xf32>
      %reduce_or3A_707 = arith.constant dense<0xFF800000> : vector<1xf32>
      %reduce_or3A_708 = vector.multi_reduction <maximumf>, %reduce_or3A_706, %reduce_or3A_707 [1, 2] : vector<1x256x1xf32> to vector<1xf32>
      %reduce_or3A_709 = vector.shape_cast %reduce_or3A_708 : vector<1xf32> to vector<1x1x1xf32>
      %reduce_or3A_710 = vector.extract %reduce_or3A_709[0, 0, 0] : f32 from vector<1x1x1xf32>
      %reduce_or3A_711 = arith.constant 0.000000e+00 : f32
      %reduce_or3A_712 = arith.cmpf ogt, %reduce_or3A_710, %reduce_or3A_711 : f32
      scf.condition(%reduce_or3A_712) %while3A_700, %while3A_701 : vector<256x1xf32>, vector<256x1xf32>
    } do {
    ^bb0(%while3A_700: vector<256x1xf32>, %while3A_701: vector<256x1xf32>):
      %dot_general3A_702 = arith.constant dense<0.000000e+00> : vector<256x1xf32>
      %dot_general3A_703 = tpu.matmul %slice3A_671, %while3A_701, %dot_general3A_702 {dimension_numbers = #tpu.dot_dimension_numbers<[1], [0], [0], [1], [0, 0, 1, 1], [], []>, transpose_lhs_hint = false} : vector<256x256xf32>, vector<256x1xf32>, vector<256x1xf32> -> vector<256x1xf32>
      %gt3A_704 = arith.constant 5.000000e-01 : f32
      %gt3A_705 = vector.broadcast %gt3A_704 : f32 to vector<256x1xf32>
      %gt3A_706 = arith.cmpf ogt, %dot_general3A_703, %gt3A_705 : vector<256x1xf32>
      %jit3A_707 = arith.constant 0.000000e+00 : f32
      %broadcast_in_dim3A_708 = vector.broadcast %jit3A_707 : f32 to vector<256x1xf32>
      %select_n3A_709 = arith.select %gt3A_706, %broadcast_in_dim3A_708, %get3A_674 : vector<256x1xi1>, vector<256x1xf32>
      scf.yield %while3A_701, %select_n3A_709 : vector<256x1xf32>, vector<256x1xf32>
    }
    %swap3A_684 = arith.constant 1792 : index
    %swap3A_685 = arith.constant 0 : index
    %swap3A_686 = vector.load %arg5[%swap3A_684, %swap3A_685] : memref<2048x1xf32, #tpu.memory_space<vmem>>, vector<256x1xf32>
    tpu.vector_store %arg5[%swap3A_684, %swap3A_685], %while3A_683#1 {strides = array<i32>} : memref<2048x1xf32, #tpu.memory_space<vmem>>, vector<256x1xf32>,
    %get3A_687 = arith.constant 0 : index
    %get3A_688 = arith.constant 0 : index
    %get3A_689 = vector.load %arg5[%get3A_687, %get3A_688] : memref<2048x1xf32, #tpu.memory_space<vmem>>, vector<2048x1xf32>
    %gt3A_690 = arith.constant 5.000000e-01 : f32
    %gt3A_691 = vector.broadcast %gt3A_690 : f32 to vector<2048x1xf32>
    %gt3A_692 = arith.cmpf ogt, %get3A_689, %gt3A_691 : vector<2048x1xf32>
    %and3A_693 = arith.andi %gt3A_692, %and3A_43 : vector<2048x1xi1>
    %jit3A_694 = arith.constant -1.000000e+00 : f32
    %broadcast_in_dim3A_695 = vector.broadcast %jit3A_694 : f32 to vector<2048x1xf32>
    %select_n3A_696 = arith.select %and3A_693, %logistic3A_34, %broadcast_in_dim3A_695 : vector<2048x1xi1>, vector<2048x1xf32>
    %swap3A_697 = arith.constant 0 : index
    %swap3A_698 = arith.constant 0 : index
    %swap3A_699 = vector.load %arg3[%swap3A_697, %swap3A_698] : memref<2048x1xf32, #tpu.memory_space<vmem>>, vector<2048x1xf32>
    tpu.vector_store %arg3[%swap3A_697, %swap3A_698], %select_n3A_696 {strides = array<i32>} : memref<2048x1xf32, #tpu.memory_space<vmem>>, vector<2048x1xf32>,
    return
  }
}

</mosaic_0001>

<sc_bundles>
// kernel: gather_offload_async_start
scs
__scs_entry_jumppad:
0x0: {  	(pc) =	sbr.rel $0x88, $3  }
0x1: {  	(tag) =	ssettag $0x0;
	lr =	simm.s32 $0x1  }
0x2: {  	[smem:$0x3F9F] =	sst lr;
	_ =	strace $0xD0000000  }
0x3: {  	_ = 	snop  }
0x4: {  	_ = 	snop  }
0x5: {  	_ = 	snop  }
0x6: {  	_ = 	snop  }
0x7: {  	_ = 	snop  }
__scs_overlays_trampoline_lowered:
0x8: {  	[smem:$0x3FAE] =	sst s0  }
0x9: {  	[smem:$0x3FAF] =	sst s1  }
0xa: {  	[smem:$0x3FB0] =	sst s2  }
0xb: {  	[smem:$0x3FB1] =	sst s3  }
0xc: {  	[smem:$0x3FB2] =	sst s4  }
0xd: {  	[smem:$0x3FB3] =	sst s5  }
0xe: {  	[smem:$0x3FB4] =	sst s6  }
0xf: {  	[smem:$0x3FB5] =	sst s7  }
0x10: {  	[smem:$0x3FB6] =	sst s8  }
0x11: {  	[smem:$0x3FB7] =	sst s9;
	s0 =	simm.s32 @!p0 $0x0  }
0x12: {  	s1 =	sld [smem:$0x3F9D];
	s0 =	simm.s32 @p0 $0x1  }
0x13: {  	[smem:$0x3FB8] =	sst s0;
	s0 =	simm.s32 @!p1 $0x0  }
0x14: {  	s2 =	sld [smem:$0x3F9C];
	s0 =	simm.s32 @p1 $0x1  }
0x15: {  	[smem:$0x3FB9] =	sst s0;
	s0 =	simm.s32 @!p2 $0x0  }
0x16: {  	s3 =	sld [smem:$0x3FDB];
	s0 =	simm.s32 @p2 $0x1  }
0x17: {  	s4 =	simm.s32 $0x1BF5;
	[smem:$0x3FBB] =	sst s0  }
0x18: {  	s0 =	sld [smem:$0x3F9E];
	_ =	swait.ge [sflag:s4], $0x0  }
0x19: {  	s7 =	sld [smem:$0x3F9F]  }
0x1a: {  	s8 =	sadd.s32 $0xFFFFE003, lr  }
0x1b: {  	s9 =	sadd.s32 $0xFFFFFEF7, lr;
	s5 =	simm.s32 $0xFFFFFFFF;
	p2 =	slt.u32 s8, $0xFFFFF086  }
0x1c: {  	p1 =	slt.u32 s9, $0xF7A;
	s5 =	simm.s32 @!p2 $0x0  }
0x1d: {  	s5 =	simm.s32 @p1 $0x1;
	p0 =	seq.s32 s7, s2  }
0x1e: {  	s7 =	smul.u32 @!p0 $0xF7A, s2;
	p2 =	seq.s32 @!p0 s5, $0x0  }
0x1f: {  	s9 =	smul.u32 $0xF7A, s1;
	s8 =	simm.s32 @!p0 $0x1BF5;
	p2 =	por !p2, p0  }
0x20: {  	[sflag:s8] =	ssyncset.s32 @!p0 $0xFFFFF086;
	s6 =	sadd.s32 @!p0 s3, s7;
	s7 =	simm.s32 @!p0 $0x108  }
0x21: {  	s3 =	sadd.s32 s3, s9;
	s6 =	sadd.s32 @!p0 $0x88, s6;
	s7 =	simm.s32 @p2 $0x1082  }
0x22: {  	[simem:s7], [sflag:s8] =	dma.local @!p0 [hbm:s6], $0xF7A  }
0x23: {  	s9 =	sor.u32 $0xD0000000, s2;
	s6 =	simm.s32 $0x108;
	_ =	swait.ge @!p0 [sflag:s8], $0x0  }
0x24: {  	s3 =	sadd.s32 $0x88, s3;
	s6 =	simm.s32 @!p1 $0x1082;
	[sflag:s4] =	ssyncset.s32 $0xFFFFF086  }
0x25: {  	[simem:s6], [sflag:s4] =	dma.local [hbm:s3], $0xF7A  }
0x26: {  	[smem:$0x3F9F] =	sst s1;
	(tag) =	ssettag s2;
	_ =	strace s9  }
0x27: {  	s1 =	sld [smem:$0x3FAF]  }
0x28: {  	s2 =	sld [smem:$0x3FB0]  }
0x29: {  	s4 =	sld [smem:$0x3FB2]  }
0x2a: {  	p0 =	seq.s32 s5, $0x0;
	s5 =	sld [smem:$0x3FB3]  }
0x2b: {  	s6 =	sld [smem:$0x3FB4]  }
0x2c: {  	s7 =	sld [smem:$0x3FB5]  }
0x2d: {  	s3 =	simm.s32 $0x108;
	s8 =	sld [smem:$0x3FB6]  }
0x2e: {  	s3 =	simm.s32 @!p0 $0x1082;
	s9 =	sld [smem:$0x3FB7]  }
0x2f: {  	lr =	sadd.s32 s0, s3;
	s0 =	sld [smem:$0x3FAE]  }
0x30: {  	s3 =	sld [smem:$0x3FB1]  }
0x31: {  	[smem:$0x3FBA] =	sst s10  }
0x32: {  	s10 =	sld [smem:$0x3FB8];
	_ =	sdelay $0x3  }
0x33: {  	p0 =	seq.s32 s10, $0x1;
	s10 =	sld [smem:$0x3FBA];
	_ =	sdelay $0x3  }
0x34: {  	[smem:$0x3FBA] =	sst s10  }
0x35: {  	s10 =	sld [smem:$0x3FB9];
	_ =	sdelay $0x3  }
0x36: {  	p1 =	seq.s32 s10, $0x1;
	s10 =	sld [smem:$0x3FBA];
	_ =	sdelay $0x3  }
0x37: {  	[smem:$0x3FBA] =	sst s10  }
0x38: {  	s10 =	sld [smem:$0x3FBB]  }
0x39: {  	_ = 	snop;
	(pc) =	sbr.ind lr, $3  }
0x3a: {  	_ = 	snop  }
0x3b: {  	_ = 	snop  }
0x3c: {  	p2 =	seq.s32 s10, $0x1;
	s10 =	sld [smem:$0x3FBA]  }
0x3d: {  	_ =	shalt  }
0x3e: {  	_ =	shalt  }
0x3f: {  	_ =	shalt  }
0x40: {  	_ =	shalt  }
0x41: {  	_ =	shalt  }
0x42: {  	_ =	shalt  }
0x43: {  	_ =	shalt  }
0x44: {  	_ =	shalt  }
0x45: {  	_ =	shalt  }
0x46: {  	_ =	shalt  }
0x47: {  	_ =	shalt  }
0x48: {  	_ =	shalt  }
0x49: {  	_ =	shalt  }
0x4a: {  	_ =	shalt  }
0x4b: {  	_ =	shalt  }
0x4c: {  	_ =	shalt  }
0x4d: {  	_ =	shalt  }
0x4e: {  	_ =	shalt  }
0x4f: {  	_ =	shalt  }
0x50: {  	_ =	shalt  }
0x51: {  	_ =	shalt  }
0x52: {  	_ =	shalt  }
0x53: {  	_ =	shalt  }
0x54: {  	_ =	shalt  }
0x55: {  	_ =	shalt  }
0x56: {  	_ =	shalt  }
0x57: {  	_ =	shalt  }
0x58: {  	_ =	shalt  }
0x59: {  	_ =	shalt  }
0x5a: {  	_ =	shalt  }
0x5b: {  	_ =	shalt  }
0x5c: {  	_ =	shalt  }
0x5d: {  	_ =	shalt  }
0x5e: {  	_ =	shalt  }
0x5f: {  	_ =	shalt  }
0x60: {  	_ =	shalt  }
0x61: {  	_ =	shalt  }
0x62: {  	_ =	shalt  }
0x63: {  	_ =	shalt  }
0x64: {  	_ =	shalt  }
0x65: {  	_ =	shalt  }
0x66: {  	_ =	shalt  }
0x67: {  	_ =	shalt  }
0x68: {  	_ =	shalt  }
0x69: {  	_ =	shalt  }
0x6a: {  	_ =	shalt  }
0x6b: {  	_ =	shalt  }
0x6c: {  	_ =	shalt  }
0x6d: {  	_ =	shalt  }
0x6e: {  	_ =	shalt  }
0x6f: {  	_ =	shalt  }
0x70: {  	_ =	shalt  }
0x71: {  	_ =	shalt  }
0x72: {  	_ =	shalt  }
0x73: {  	_ =	shalt  }
0x74: {  	_ =	shalt  }
0x75: {  	_ =	shalt  }
0x76: {  	_ =	shalt  }
0x77: {  	_ =	shalt  }
0x78: {  	_ =	shalt  }
0x79: {  	_ =	shalt  }
0x7a: {  	_ =	shalt  }
0x7b: {  	_ =	shalt  }
0x7c: {  	_ =	shalt  }
0x7d: {  	_ =	shalt  }
0x7e: {  	_ =	shalt  }
0x7f: {  	_ =	shalt  }
0x80: {  	_ =	shalt  }
0x81: {  	_ =	shalt  }
0x82: {  	_ =	shalt  }
0x83: {  	_ =	shalt  }
0x84: {  	_ =	shalt  }
0x85: {  	_ =	shalt  }
0x86: {  	_ =	shalt  }
0x87: {  	_ =	shalt  }
.Lfunc_end0:
.L_simem_size_0:
called_computation_lowered:
.L_overlay_start_0:
0x88: {  	s0 =	sld [smem:$0x3FD9]  }
0x89: {  	s1 =	sld [smem:$0x3FFE];
	_ =	sdelay $0x3  }
0x8a: {  	s0 =	sadd.s32 s1, s0  }
0x8b: {  	[smem:$0x3FC6] =	sst s0  }
0x8c: {  	_ = 	snop  }
0x8d: {  	s0 =	sld [smem:$0x3FD0];
	_ =	sdelay $0x2  }
0x8e: {  	s13 =	simm.s32 $0xA;
	s2 =	simm.s32 $0x10  }
0x8f: {  	[smem:s2], [sflag:s13] =	dma.local [hbm:s0], $0x1  }
0x90: {  	_ =	swait.eq [sflag:s13], $0x1  }
0x91: {  	[sflag:s13] =	ssyncset.done $0x0  }
0x92: {  	[sflag:s13] =	ssyncadd.s32 $0xFFFFFFFF  }
0x93: {  	s14 =	sld [smem:$0x10];
	(tm) =	ssettm $0x1  }
0x94: {  	s15 =	sld [smem:$0x3FFB];
	_ =	sdelay $0x3  }
0x95: {  	_ =	strace s15  }
0x96: {  	s1 =	sld [smem:$0x3FFC];
	_ =	sdelay $0x3  }
0x97: {  	_ =	strace s1  }
0x98: {  	s1 =	sld [smem:$0x3FFD];
	_ =	sdelay $0x3  }
0x99: {  	_ =	strace s1  }
0x9a: {  	_ =	strace $0x8FFFFFFF  }
0x9b: {  	s16 =	sld [smem:$0x3FDB];
	_ =	sdelay $0x1  }
0x9c: {  	s17 =	simm.s32 $_scs_section_size  }
0x9d: {  	s3 =	simm.s32 $_size__tile_overlayer_lowered;
	s4 =	simm.s32 $_tile_overlayer_lowered  }
0x9e: {  	s20 =	simm.s32 $0x1BFF;
	s19 =	sshll.u32 s4, $0x1;
	s1 =	sadd.s32 s17, s16  }
0x9f: {  	s5 =	simm.s32 $0x0;
	s18 =	sshll.u32 s3, $0x1;
	s3 =	sadd.s32 s19, s1  }
0xa0: {  	[timem:s5], [sflag:s20] =	dma.local [hbm:s3], s18  }
0xa1: {  	_ =	swait.ge [sflag:s20], s18  }
0xa2: {  	s2 =	ssub.s32 $0x0, s18;
	[sflag:s20] =	ssyncset.done $0x0  }
0xa3: {  	[sflag:s20] =	ssyncadd.s32 s2;
	_ =	sdelay $0x1  }
0xa4: {  	s21 =	simm.s32 $0x1B8B  }
0xa5: {  	_ =	swait.ge [sflag:s21], $0x1  }
0xa6: {  	[sflag:s21] =	ssyncset.done $0x0  }
0xa7: {  	s23 =	simm.s32 $0x1B8E;
	s22 =	sld [smem:$0x3FFE];
	[sflag:s21] =	ssyncadd.s32 $0xFFFFFFFF  }
0xa8: {  	s24 =	simm.s32 $execute0_lowered;
	[smem:$0x3FD2] =	sst s23  }
0xa9: {  	s3 =	sshll.u32 s24, $0x1;
	_ =	strace $0x80000046;
	[dreg:$0x1] =	wrdreg $0xFFFFFFFF  }
0xaa: {  	s25 =	simm.s32 $_size_execute0_lowered;
	s1 =	sadd.s32 s1, s3;
	[dreg:$0x0] =	wrdreg $0x0  }
0xab: {  	s3 =	sshll.u32 s25, $0x1;
	[dreg:$0x2] =	wrdreg s1  }
0xac: {  	[dreg:$0x3] =	wrdreg s3  }
0xad: {  	[dreg:$0x4] =	wrdreg $0xC0  }
0xae: {  	_ =	task [dreg:s5], $0x5FFFF  }
0xaf: {  	[dreg:$0x1] =	wrdreg $0xFFFFFFFF  }
0xb0: {  	[dreg:$0x0] =	wrdreg $0x60  }
0xb1: {  	[dreg:$0x2] =	wrdreg s22  }
0xb2: {  	[dreg:$0x3] =	wrdreg s14  }
0xb3: {  	[dreg:$0x4] =	wrdreg $0x9  }
0xb4: {  	_ =	task.clear_ibuf [dreg:s5], $0x5FFFF;
	_ =	strace $0x90000046  }
0xb5: {  	s26 =	simm.s32 $0x9;
	_ =	strace $0x80000048  }
0xb6: {  	_ =	swait.ge [sflag:s26], $0x1  }
0xb7: {  	[sflag:s26] =	ssyncadd.s32 $0xFFFFFFFF  }
0xb8: {  	_ =	strace $0x90000048  }
0xb9: {  	_ =	sfence  }
0xba: {  	s28 =	sld [smem:$0x0];
	_ =	sdelay $0x1  }
0xbb: {  	s29 =	srdreg.scid  }
0xbc: {  	s30 =	sshll.u32 s29, $0xD;
	s31 =	sshrl.u32 s29, $0x2  }
0xbd: {  	s2 =	sand.u32 $0x4000, s30;
	s1 =	sand.u32 $0x1, s29;
	s0 =	sadd.s32 s31, s28  }
0xbe: {  	s1 =	sor.u32 s2, s1;
	s0 =	sshll.u32 s0, $0x11  }
0xbf: {  	s0 =	sor.u32 s0, s1  }
0xc0: {  	s0 =	sadd.s32 $0x8F2B, s0  }
0xc1: {  	[sflag:s0] =	ssyncadd.remote.s32 $0x1  }
0xc2: {  	_ =	sfence.sel $0xFFFF  }
0xc3: {  	[dreg:$0x0] =	wrdreg $0xFFFFFFFF;
	(pc) =	sbr.abs _section_cstart, $3  }
0xc4: {  	[dreg:$0x1] =	wrdreg $0xFFFFFFFF  }
0xc5: {  	_ =	task.clear_ibuf [dreg:s5], $0x2FFFF;
	_ =	strace $0x9FFFFFFF  }
0xc6: {  	(tm) =	ssettm $0x7FFFFFFF  }
0xc7: {  	_ =	shalt  }
tec
execute0_lowered:
.L_overlay_start_1:
0x0: {  	(tag) =	ssettag $0x1  }
0x1: {  	s0 =	stileid.u32  }
0x2: {  	s1 =	smin.u32 s0, $0x9  }
0x3: {  	s1 =	sadd.s32 s0, s1  }
0x4: {  	s2 =	simm.s32 $0xA0;
	p0 =	slt.u32 s0, $0x9;
	s1 =	smul.u32 $0x50, s1  }
0x5: {  	s2 =	simm.s32 @!p0 $0x50  }
0x6: {  	s2 =	sadd.s32 s2, s1  }
0x7: {  	s3 =	smin.u32 s2, $0x7D0  }
0x8: {  	s7 =	ssub.s32 s3, s1  }
0x9: {  	p0 =	sgt.s32 s7, $0x0  }
0xa: {  	s7 =	simm.s32 @!p0 $0x0  }
0xb: {  	s4 =	rddreg [dreg:$0x0];
	s31 =	smul.u32 $0xCCCD, s7  }
0xc: {  	s5 =	rddreg [dreg:$0x1]  }
0xd: {  	s6 =	simm.s32 $0x1;
	s10 =	simm.s32 $0x3;
	s8 =	sshrl.u32 s31, $0x16  }
0xe: {  	s13 =	simm.s32 $0x0;
	s12 =	simm.s32 $0x0;
	s9 =	smul.u32 $0x50, s8  }
.Ltmp0:
0xf: {  	s11 =	smov.u32 s1;
	s2 =	rddreg [dreg:$0x2];
	(pc) =	sbr.rel .LBB2_1-.Ltmp0, $4  }
0x10: {  	_ =	strace $0x80000047;
	p0 =	sne.s32 s7, s9;
	s9 =	simm.s32 $0x1  }
0x11: {  	[sflag:s6] =	ssyncpa.u1 $0x0;
	s7 =	simm.s32 $0x2;
	s9 =	simm.s32 @!p0 $0x0  }
0x12: {  	[sflag:s7] =	ssyncpa.u1 $0x0;
	p0 =	por $0x0, $0x0;
	s8 =	sadd.s32 s8, s9  }
0x13: {  	vm0 =	vmmov $0xff;
	vm1 =	vcmask $0x3F20;
	s9 =	sadd.s32 $0x4E200, s4;
	[sflag:s10] =	ssyncpa.u1 $0x0;
	s10 =	sadd.s32 $0x1, s8  }
.LBB2_6:
0x14: {  	[hbm:s17] =	stream.linear.scatter [tilespmem:s14], [sflag:$0x3], $0x400, $0x38;
	[tilespmem:$0x50A0] =	vst v63  }
.LBB2_7:
0x15: {  	s13 =	sadd.s32 $0x50, s11  }
0x16: {  	s15 =	smov.u32 s1;
	p2 =	slt.s32 s13, s3  }
0x17: {  	s15 =	smov.u32 @p2 s13;
	p2 =	sne.s32 s12, s10  }
.Ltmp1:
0x18: {  	p1 =	slt.u32 s12, $0x2;
	(pc) =	sbr.rel @!p2 .LBB2_8-.Ltmp1, $4  }
0x19: {  	s14 =	simm.s32 @!p1 $0x3  }
0x1a: {  	s16 =	sadd.s32 $0x1, s12;
	_ =	swait.ge @!p1 [sflag:s14], $0x2800  }
0x1b: {  	p0 =	por !p0, !p0;
	s13 =	smov.u32 s11;
	[sflag:s14] =	ssyncset.done @!p1 $0x0  }
0x1c: {  	s12 =	smov.u32 s16;
	s11 =	smov.u32 s15;
	[sflag:s14] =	ssyncadd.s32 @!p1 $0xFFFFD800  }
.LBB2_1:
0x1d: {  	p1 =	sge.u32 s12, s8  }
0x1e: {  	s14 =	sxor.u32 @!p1 $0xFFFFFFFF, s12  }
0x1f: {  	s14 =	sand.u32 @!p1 $0x1, s14  }
0x20: {  	s14 =	smul.u32 @!p1 $0x140, s14  }
0x21: {  	s31 =	sadd.s32 $0xFFFFFFFF, s12;
	s15 =	sshrl.u32 @!p1 s11, $0x3  }
0x22: {  	s16 =	sand.u32 @!p1 $0x7, s11;
	s15 =	sadd.s32 @!p1 s5, s15;
	s14 =	sshrl.u32 @!p1 s14, $0x2  }
0x23: {  	[tilespmem:s14], [sflag:$0x2] =	stream.linear.gather @!p1 [hbm4b:s15+s16], $0x50, $0x38;
	[tilespmem:$0x50A0] =	vst v63  }
0x24: {  	p1 =	sge.u32 s31, s8  }
.Ltmp2:
0x25: {  	_ = 	snop;
	(pc) =	sbr.rel @p1 .LBB2_7-.Ltmp2, $1  }
0x26: {  	_ =	sdelay $0x3  }
0x27: {  	s14 =	simm.s32 $0x1  }
0x28: {  	s14 =	simm.s32 @!p0 $0x0  }
0x29: {  	s15 =	smul.u32 $0x140, s14  }
0x2a: {  	_ =	swait.ge [sflag:s7], $0x50  }
0x2b: {  	[sflag:s7] =	ssyncset.done $0x0;
	s16 =	sshrl.u32 s15, $0x2  }
0x2c: {  	[sflag:s7] =	ssyncadd.s32 $0xFFFFFFB0;
	s15 =	sadd.s32 $0x0, s16  }
0x2d: {  	v0 =	vld.msk [tilespmem:s15+$0x0 ss:$0x1], $0xffff;
	_ =	sdelay $0x4  }
0x2e: {  	vm2 =	vgt.s32 v0, $0x0  }
0x2f: {  	v0 =	vnsel vm2, $0x0, v0  }
0x30: {  	v0 =	vmin.u32 v0, $0x4E1F  }
0x31: {  	v0 =	vshll.u32 v0, $0x4  }
0x32: {  	s14 =	smul.u32 $0xA000, s14;
	_ =	sdelay $0x1  }
0x33: {  	s14 =	sshrl.u32 s14, $0x2  }
0x34: {  	s14 =	sor.u32 $0xA0, s14  }
0x35: {  	[tilespmem:s14], [sflag:$0x1] =	stream.indirect_vreg.gather [hbm:s4], $0x80, v0, vm0, $0x38;
	[tilespmem:$0x50A0] =	vst v63  }
0x36: {  	s17 =	sadd.s32 $0x10, s16;
	s15 =	sadd.s32 $0x400, s14  }
0x37: {  	[tilespmem:s15], [sflag:$0x1] =	stream.indirect_vreg.gather [hbm:s4], $0x80, v0, vm1, $0x38;
	[tilespmem:$0x50A0] =	vst v63  }
0x38: {  	s18 =	simm.s32 $0x80;
	v0 =	vld.msk [tilespmem:s17+$0x0 ss:$0x1], $0xffff;
	s17 =	smov.u32 s14  }
.LBB2_3:
0x39: {  	p1 =	sne.s32 s18, $0x100;
	_ =	sdelay $0x4  }
0x3a: {  	vm2 =	vgt.s32 v0, $0x0  }
0x3b: {  	v0 =	vnsel vm2, $0x0, v0  }
0x3c: {  	v0 =	vmin.u32 v0, $0x4E1F  }
0x3d: {  	v0 =	vshll.u32 v0, $0x4;
	_ =	sdelay $0x3  }
.Ltmp3:
0x3e: {  	s19 =	sshra.s32 s18, $0x2;
	s17 =	sadd.s32 $0x800, s17;
	(pc) =	sbr.rel @p1 .LBB2_3-.Ltmp3, $4  }
0x3f: {  	[tilespmem:s17], [sflag:$0x1] =	stream.indirect_vreg.gather [hbm:s4], $0x80, v0, vm0, $0x38;
	[tilespmem:$0x50A0] =	vst v63  }
0x40: {  	s19 =	sadd.s32 s19, s16;
	s20 =	sadd.s32 $0x400, s17  }
0x41: {  	[tilespmem:s20], [sflag:$0x1] =	stream.indirect_vreg.gather [hbm:s4], $0x80, v0, vm1, $0x38;
	[tilespmem:$0x50A0] =	vst v63  }
0x42: {  	s18 =	sadd.s32 $0x40, s18;
	v0 =	vld.msk [tilespmem:s19+$0x0 ss:$0x1], $0xffff  }
0x43: {  	_ =	sdelay $0x3  }
0x44: {  	vm2 =	vgt.s32 v0, $0x0  }
0x45: {  	v0 =	vnsel vm2, $0x0, v0  }
0x46: {  	v0 =	vmin.u32 v0, $0x4E1F  }
0x47: {  	v0 =	vshll.u32 v0, $0x4;
	_ =	sdelay $0x3  }
0x48: {  	s16 =	sadd.s32 $0x800, s17  }
0x49: {  	[tilespmem:s16], [sflag:$0x1] =	stream.indirect_vreg.gather [hbm:s4], $0x80, v0, vm0, $0x38;
	[tilespmem:$0x50A0] =	vst v63  }
0x4a: {  	s16 =	sadd.s32 $0x400, s16  }
0x4b: {  	[tilespmem:s16], [sflag:$0x1] =	stream.indirect_vreg.gather [hbm:s4], $0x80, v0, vm1, $0x38;
	[tilespmem:$0x50A0] =	vst v63  }
0x4c: {  	s13 =	sshll.u32 s13, $0x4;
	_ =	swait.ge [sflag:s6], $0x2800  }
0x4d: {  	s13 =	sadd.s32 s13, s9;
	[sflag:s6] =	ssyncset.done $0x0  }
0x4e: {  	s17 =	sadd.s32 $0x0, s13;
	s16 =	simm.s32 $0x80;
	[sflag:s6] =	ssyncadd.s32 $0xFFFFD800  }
.LBB2_5:
0x4f: {  	[hbm:s17] =	stream.linear.scatter [tilespmem:s14], [sflag:$0x3], $0x400, $0x38;
	[tilespmem:$0x50A0] =	vst v63  }
0x50: {  	s17 =	smov.u32 s16;
	s14 =	smov.u32 s15;
	p1 =	sne.s32 s16, $0x480  }
.Ltmp4:
0x51: {  	s16 =	sadd.s32 $0x80, s16;
	(pc) =	sbr.rel @p1 .LBB2_5-.Ltmp4, $2  }
0x52: {  	_ =	sdelay $0x2  }
0x53: {  	s15 =	sadd.s32 $0x400, s15;
	s17 =	sadd.s32 s17, s13  }
.Ltmp5:
0x54: {  	_ = 	snop;
	(pc) =	sbr.rel .LBB2_6-.Ltmp5, $1  }
0x55: {  	_ =	sdelay $0x3  }
.LBB2_8:
0x56: {  	_ =	sfence.sel $0x180000  }
0x57: {  	s1 =	simm.s32 $0x2;
	[bflag:$0x0] =	sbarrier.arrive $0xFFFF  }
0x58: {  	s30 =	simm.s32 $0x3;
	[sflag:s1] =	ssyncpa.u1 $0x1  }
0x59: {  	s31 =	simm.s32 $0x1;
	[sflag:s30] =	ssyncpa.u1 $0x1  }
0x5a: {  	[sflag:s31] =	ssyncpa.u1 $0x1  }
0x5b: {  	p0 =	sne.s32 s0, $0x0;
	_ =	strace $0x90000047  }
0x5c: {  	s0 =	sadd.s32 @!p0 $0x100000, s2;
	[bflag:$0x2] =	sbarrier.arrive $0xFFFF  }
0x5d: {  	[sflag:s0] =	ssyncadd.tile.s32 @!p0 $0x1;
	_ =	shalt  }
.Lfunc_end2:
_tile_overlayer_lowered:
.L_overlay_start_2:
0x5e: {  	(tag) =	ssettag $0x2  }
0x5f: {  	s0 =	rddreg [dreg:$0x0];
	s2 =	stileid.u32  }
0x60: {  	s1 =	rddreg [dreg:$0x1];
	p0 =	sne.s32 s2, $0x0  }
0x61: {  	s3 =	rddreg [dreg:$0x2];
	[bflag:$0x3] =	sbarrier.arrive $0xFFFF;
	s2 =	simm.s32 @!p0 $0x1C01  }
0x62: {  	[timem:s3], [sflag:s2] =	dma.local @!p0 [hbm:s0], s1  }
0x63: {  	s0 =	simm.s32 @!p0 $0x1  }
0x64: {  	_ =	swait.ge @!p0 [sflag:s0], s1  }
0x65: {  	s1 =	ssub.s32 @!p0 $0x0, s1;
	[sflag:s0] =	ssyncset.done @!p0 $0x0  }
0x66: {  	[sflag:s0] =	ssyncadd.s32 @!p0 s1  }
0x67: {  	[bflag:$0x3] =	sbarrier.arrive $0xFFFF  }
0x68: {  	_ =	shalt  }

</sc_bundles>
